<compile_context>
chip_gen: v7x
topology: tpu7x:2x2x1
jax: 0.10.2.dev20260603
libtpu: 0.0.44.dev20260713+nightly
codegen_flags: <defaults>
</compile_context>

<pallas_src>
import functools

import jax
import jax.numpy as jnp
from jax import lax
from jax.experimental import pallas as pl
from jax.experimental.pallas import tpu as pltpu
from jax.experimental.pallas import tpu_sc as plsc

S, H, NH, HD, E, FF = 2048, 768, 12, 64, 64, 384
EPS = 1e-05
BS = 512
BQ = 512
BM = 32
NT = 128
PAD = NT * BM


def _rms(x, w):
    v = jnp.mean(x * x, axis=-1, keepdims=True)
    return (x * lax.rsqrt(v + EPS)) * w


def _rotate_half_cols(q):
    parts = []
    for h in range(NH):
        b = h * HD
        parts.append(-q[:, b + HD // 2:b + HD])
        parts.append(q[:, b:b + HD // 2])
    return jnp.concatenate(parts, axis=1)


def _qkv_body(x_ref, cos_ref, sin_ref, lnw_ref, wq_ref, wk_ref, wv_ref,
              q_ref, k_ref, v_ref):
    x = x_ref[...]
    xn = _rms(x, lnw_ref[...]).astype(jnp.bfloat16)
    cos = jnp.concatenate([cos_ref[...]] * NH, axis=1)
    sin = jnp.concatenate([sin_ref[...]] * NH, axis=1)
    q = jnp.dot(xn, wq_ref[...], preferred_element_type=jnp.float32)
    k = jnp.dot(xn, wk_ref[...], preferred_element_type=jnp.float32)
    v = jnp.dot(xn, wv_ref[...], preferred_element_type=jnp.float32)
    qr = (q * cos + _rotate_half_cols(q) * sin).astype(jnp.bfloat16)
    kr = (k * cos + _rotate_half_cols(k) * sin).astype(jnp.bfloat16)
    vb = v.astype(jnp.bfloat16)
    for h in range(NH):
        q_ref[h] = qr[:, h * HD:(h + 1) * HD]
        k_ref[h] = kr[:, h * HD:(h + 1) * HD]
        v_ref[h] = vb[:, h * HD:(h + 1) * HD]


def _attn_body(q_ref, k_ref, v_ref, o_ref):
    q = q_ref[0]
    k = k_ref[0]
    v = v_ref[0]
    s = lax.dot_general(q, k, (((1,), (1,)), ((), ())),
                        preferred_element_type=jnp.float32)
    m = jnp.max(s, axis=-1, keepdims=True)
    p = jnp.exp(s - m)
    l = jnp.sum(p, axis=-1, keepdims=True)
    o = jnp.dot(p.astype(jnp.bfloat16), v, preferred_element_type=jnp.float32)
    o_ref[0] = (o / l).astype(jnp.bfloat16)


def _post_body(ao_ref, res_ref, plnw_ref, wo_ref, wr_ref,
               h2_ref, xn_ref, ti_ref):
    ao = jnp.concatenate([ao_ref[h] for h in range(NH)], axis=1)
    h2 = res_ref[...] + jnp.dot(ao, wo_ref[...],
                                preferred_element_type=jnp.float32)
    h2_ref[...] = h2
    xn = _rms(h2, plnw_ref[...])
    xn_ref[...] = xn
    logits = jnp.dot(xn, wr_ref[...], preferred_element_type=jnp.float32)
    ti_ref[...] = jnp.argmax(logits, axis=-1).astype(jnp.int32)[:, None]


def _ffn_body(eid_ref, xs_ref, wg_ref, wu_ref, wd_ref, ys_ref):
    del eid_ref
    x = xs_ref[...]
    g = jnp.dot(x, wg_ref[0], preferred_element_type=jnp.float32)
    u = jnp.dot(x, wu_ref[0], preferred_element_type=jnp.float32)
    a = (g * (1.0 / (1.0 + jnp.exp(-g)))) * u
    ys_ref[...] = jnp.dot(
        a, wd_ref[0], preferred_element_type=jnp.float32).astype(jnp.bfloat16)


def _final_body(h2_ref, ys_ref, sr_ref, o_ref):
    sr = sr_ref[...]
    iota = lax.broadcasted_iota(jnp.int32, (BS, PAD), 1)
    oh = (iota == sr).astype(jnp.bfloat16)
    moe = jnp.dot(oh, ys_ref[...], preferred_element_type=jnp.float32)
    o_ref[...] = h2_ref[...] + moe


def _gather_rows(table, idx, n_rows):
    d = table.shape[1]
    info = plsc.get_sparse_core_info()
    nc, ns = info.num_cores, info.num_subcores
    nw = nc * ns
    b = n_rows // nw
    mesh = plsc.VectorSubcoreMesh(core_axis_name="c", subcore_axis_name="s")

    @functools.partial(
        pl.kernel, mesh=mesh,
        out_type=jax.ShapeDtypeStruct((n_rows, d), table.dtype),
        scratch_types=[
            pltpu.VMEM((b,), jnp.int32),
            pltpu.VMEM((b, d), table.dtype),
            pltpu.SemaphoreType.DMA,
        ],
    )
    def gk(t_hbm, i_hbm, o_hbm, idx_v, rows_v, sem):
        wid = lax.axis_index("s") * nc + lax.axis_index("c")
        base = wid * b
        pltpu.sync_copy(i_hbm.at[pl.ds(base, b)], idx_v)
        pltpu.async_copy(t_hbm.at[idx_v], rows_v, sem).wait()
        pltpu.sync_copy(rows_v, o_hbm.at[pl.ds(base, b)])

    return gk(table, idx)


def kernel(hidden_states, cos, sin, input_ln_w, Wq, Wk, Wv, Wo, post_ln_w,
           Wr, Wg, Wu, Wd):
    f32 = jnp.float32
    bf16 = jnp.bfloat16
    x0 = hidden_states.reshape(S, H)
    scale = 1.0 / (HD ** 0.5)

    row_spec = pl.BlockSpec((BS, H), lambda i: (i, 0))
    full_spec = pl.BlockSpec((H, H), lambda i: (0, 0))
    vec_spec = pl.BlockSpec((1, H), lambda i: (0, 0))
    rope_spec = pl.BlockSpec((BS, HD), lambda i: (i, 0))
    head_spec = pl.BlockSpec((NH, BS, HD), lambda i: (0, i, 0))
    q3, k3, v3 = pl.pallas_call(
        _qkv_body,
        grid=(S // BS,),
        in_specs=[row_spec, rope_spec, rope_spec, vec_spec,
                  full_spec, full_spec, full_spec],
        out_specs=[head_spec, head_spec, head_spec],
        out_shape=[jax.ShapeDtypeStruct((NH, S, HD), bf16)] * 3,
    )(x0, cos.reshape(S, HD), sin.reshape(S, HD), input_ln_w.reshape(1, H),
      (Wq * scale).astype(bf16), Wk.astype(bf16), Wv.astype(bf16))

    qo_spec = pl.BlockSpec((1, BQ, HD), lambda h, i: (h, i, 0))
    kv_spec = pl.BlockSpec((1, S, HD), lambda h, i: (h, 0, 0))
    ao3 = pl.pallas_call(
        _attn_body,
        grid=(NH, S // BQ),
        in_specs=[qo_spec, kv_spec, kv_spec],
        out_specs=qo_spec,
        out_shape=jax.ShapeDtypeStruct((NH, S, HD), bf16),
    )(q3, k3, v3)

    h2, xn, ti2 = pl.pallas_call(
        _post_body,
        grid=(S // BS,),
        in_specs=[head_spec, row_spec, vec_spec, full_spec,
                  pl.BlockSpec((H, E), lambda i: (0, 0))],
        out_specs=[row_spec, row_spec, pl.BlockSpec((BS, 1), lambda i: (i, 0))],
        out_shape=[jax.ShapeDtypeStruct((S, H), f32),
                   jax.ShapeDtypeStruct((S, H), f32),
                   jax.ShapeDtypeStruct((S, 1), jnp.int32)],
    )(ao3, x0, post_ln_w.reshape(1, H), Wo.astype(bf16), Wr)
    ti = ti2[:, 0]

    order = jnp.argsort(ti).astype(jnp.int32)
    counts = jnp.bincount(ti, length=E).astype(jnp.int32)
    off = jnp.concatenate([jnp.zeros((1,), jnp.int32),
                           jnp.cumsum(counts)[:-1].astype(jnp.int32)])
    nt_e = (counts + BM - 1) // BM
    cum_nt = jnp.cumsum(nt_e).astype(jnp.int32)
    total = cum_nt[-1]
    t_idx = jnp.arange(NT, dtype=jnp.int32)
    e_t = jnp.minimum(
        jnp.searchsorted(cum_nt, t_idx, side="right"), E - 1).astype(jnp.int32)
    j_t = t_idx - (cum_nt[e_t] - nt_e[e_t])
    start_p = off[e_t] + j_t * BM
    valid_len = jnp.clip(counts[e_t] - j_t * BM, 0, BM)
    m = jnp.arange(BM, dtype=jnp.int32)
    p_mat = start_p[:, None] + m[None, :]
    valid = m[None, :] < valid_len[:, None]
    src_token = jnp.where(valid, order[jnp.clip(p_mat, 0, S - 1)], 0)
    src_token = src_token.reshape(PAD).astype(jnp.int32)
    r_idx = jnp.arange(PAD, dtype=jnp.int32)
    tok_or_oob = jnp.where(valid.reshape(PAD), src_token, S)
    src_row = jnp.zeros((S,), jnp.int32).at[tok_or_oob].set(r_idx, mode="drop")
    last_e = e_t[jnp.clip(total - 1, 0, NT - 1)]
    tile_eid = jnp.where(t_idx < total, e_t, last_e).astype(jnp.int32)

    xs = _gather_rows(xn, src_token, PAD)

    grid_spec = pltpu.PrefetchScalarGridSpec(
        num_scalar_prefetch=1,
        grid=(NT,),
        in_specs=[
            pl.BlockSpec((BM, H), lambda i, eid: (i, 0)),
            pl.BlockSpec((1, H, FF), lambda i, eid: (eid[i], 0, 0)),
            pl.BlockSpec((1, H, FF), lambda i, eid: (eid[i], 0, 0)),
            pl.BlockSpec((1, FF, H), lambda i, eid: (eid[i], 0, 0)),
        ],
        out_specs=pl.BlockSpec((BM, H), lambda i, eid: (i, 0)),
    )
    ys = pl.pallas_call(
        _ffn_body,
        grid_spec=grid_spec,
        out_shape=jax.ShapeDtypeStruct((PAD, H), bf16),
    )(tile_eid, xs, Wg, Wu, Wd)

    out = pl.pallas_call(
        _final_body,
        grid=(S // BS,),
        in_specs=[row_spec,
                  pl.BlockSpec((PAD, H), lambda i: (0, 0)),
                  pl.BlockSpec((BS, 1), lambda i: (i, 0))],
        out_specs=row_spec,
        out_shape=jax.ShapeDtypeStruct((S, H), f32),
    )(h2, ys, src_row[:, None])
    return out.reshape(1, S, H)

# --- scband reference (transcript-rebuilt; emitter-appended) ---
"""Pipeline reference for scband-lla-daemo-edecoder-layer-71751723647282 (READ-ONLY COPY).

The authoritative reference and input builder live on the scoring server;
editing this copy changes nothing except your own understanding.
"""

import jax, jax.numpy as jnp
import numpy as np

B, S, H, NH, HD, E, K, FF = 1, 2048, 768, 12, 64, 64, 1, 384
EPS = 1e-05

def rms_norm(x, w):
    v = jnp.mean(x.astype(jnp.float32) ** 2, axis=-1, keepdims=True)
    return w * (x.astype(jnp.float32) * jax.lax.rsqrt(v + EPS))

def rotate_half(x):
    x1 = x[..., : x.shape[-1] // 2]
    x2 = x[..., x.shape[-1] // 2 :]
    return jnp.concatenate((-x2, x1), axis=-1)

def apply_rope(q, k, cos, sin):
    cos = cos[:, None, :, :]
    sin = sin[:, None, :, :]
    return q * cos + rotate_half(q) * sin, k * cos + rotate_half(k) * sin

def setup_inputs(seed: int = 0):
    key = jax.random.key(seed)
    ks = jax.random.split(key, 12)
    hidden_states = jax.random.normal(ks[0], (B, S, H), jnp.float32)
    pos = jnp.arange(S, dtype=jnp.float32)
    inv = 1.0 / (10000.0 ** (jnp.arange(0, HD, 2, dtype=jnp.float32) / HD))
    freqs = jnp.outer(pos, inv)
    emb = jnp.concatenate((freqs, freqs), axis=-1)
    cos = jnp.cos(emb)[None].astype(jnp.float32)
    sin = jnp.sin(emb)[None].astype(jnp.float32)
    sc = 0.02
    Wq = jax.random.normal(ks[1], (H, H), jnp.float32) * sc
    Wk = jax.random.normal(ks[2], (H, H), jnp.float32) * sc
    Wv = jax.random.normal(ks[3], (H, H), jnp.float32) * sc
    Wo = jax.random.normal(ks[4], (H, H), jnp.float32) * sc
    Wr = jax.random.normal(ks[5], (H, E), jnp.float32) * sc
    Wg = jax.random.normal(ks[6], (E, H, FF), jnp.float32) * sc
    Wu = jax.random.normal(ks[7], (E, H, FF), jnp.float32) * sc
    Wd = jax.random.normal(ks[8], (E, FF, H), jnp.float32) * sc
    input_ln_w = jnp.ones((H,), jnp.float32)
    post_ln_w = jnp.ones((H,), jnp.float32)
    return {"hidden_states": hidden_states, "cos": cos, "sin": sin, "input_ln_w": input_ln_w, "Wq": Wq, "Wk": Wk, "Wv": Wv, "Wo": Wo, "post_ln_w": post_ln_w, "Wr": Wr, "Wg": Wg, "Wu": Wu, "Wd": Wd}

def reference(hidden_states, cos, sin, input_ln_w, Wq, Wk, Wv, Wo, post_ln_w, Wr, Wg, Wu, Wd):
    b, s, h = hidden_states.shape
    residual = hidden_states
    x = rms_norm(hidden_states, input_ln_w)
    q = (x @ Wq).reshape(b, s, NH, HD).transpose(0, 2, 1, 3)
    k = (x @ Wk).reshape(b, s, NH, HD).transpose(0, 2, 1, 3)
    v = (x @ Wv).reshape(b, s, NH, HD).transpose(0, 2, 1, 3)
    q, k = apply_rope(q, k, cos, sin)
    aw = jnp.einsum("bhqd,bhkd->bhqk", q, k) / np.sqrt(HD)
    aw = jax.nn.softmax(aw.astype(jnp.float32), axis=-1)
    ao = jnp.einsum("bhqk,bhkd->bhqd", aw, v)
    ao = ao.transpose(0, 2, 1, 3).reshape(b, s, h) @ Wo
    hidden = residual + ao
    residual = hidden
    x = rms_norm(hidden, post_ln_w)
    flat = x.reshape(-1, h)
    t = flat.shape[0]
    logits = flat @ Wr
    probs = jax.nn.softmax(logits.astype(jnp.float32), axis=-1)
    topv, topi = jax.lax.top_k(probs, K)
    topv = topv / jnp.sum(topv, axis=-1, keepdims=True)
    combine = jnp.zeros((t, E), jnp.float32).at[jnp.arange(t)[:, None], topi].add(topv)
    moe = jnp.zeros_like(flat)
    for e in range(E):
        g = jax.nn.silu(flat @ Wg[e])
        u = flat @ Wu[e]
        moe = moe + combine[:, e:e + 1] * ((g * u) @ Wd[e])
    hidden = residual + moe.reshape(b, s, h)
    return hidden

if __name__ == "__main__":
    import jax
    _d = setup_inputs()
    print(jax.jit(kernel)(*tuple(_d.values())))

</pallas_src>

<mosaic_0001>
#map = affine_map<(d0, d1) -> (0, 0)>
#map1 = affine_map<(d0, d1) -> (0)>
module attributes {stable_mosaic.version = 14 : i64} {
  func.func @gk(%arg0: i32, %arg1: i32, %arg2: memref<2048x768xf32, #tpu.memory_space<hbm>>, %arg3: memref<4096xi32, #tpu.memory_space<hbm>>, %arg4: memref<4096x768xf32, #tpu.memory_space<hbm>>, %arg5: memref<128xi32, #tpu.memory_space<vmem>>, %arg6: memref<128x768xf32, #tpu.memory_space<vmem>>, %arg7: memref<!tpu.dma_semaphore, #tpu.memory_space<semaphore_mem>>) attributes {dimension_semantics = [#tpu.dimension_semantics<core_parallel>, #tpu.dimension_semantics<subcore_parallel>], iteration_bounds = array<i64: 2, 16>, scalar_prefetch = 0 : i64, scratch_operands = 3 : i64, tpu.core_type = #tpu.core_type<sc_vector_subcore>, window_params = [{transform_indices = #map}, {transform_indices = #map1}, {transform_indices = #map}]} {
    %mul3A = arith.constant 2 : i32
    %mul3A_0 = arith.muli %arg1, %mul3A : i32
    %add3A = arith.addi %mul3A_0, %arg0 : i32
    %mul3A_1 = arith.constant 128 : i32
    %mul3A_2 = arith.muli %add3A, %mul3A_1 : i32
    "tpu.region"() ({
      %run_scoped3A = tpu.sem_alloc : memref<!tpu.dma_semaphore, #tpu.memory_space<semaphore_mem>>
      %dma_start3A_7 = tpu.memref_slice %arg3[%mul3A_2] : memref<4096xi32, #tpu.memory_space<hbm>> -> memref<128xi32, #tpu.memory_space<hbm>>
      %dma_start3A_8 = tpu.memref_slice %arg3[%mul3A_2] : memref<4096xi32, #tpu.memory_space<hbm>> -> memref<128xi32, #tpu.memory_space<hbm>>
      tpu.enqueue_dma source(%dma_start3A_8 : memref<128xi32, #tpu.memory_space<hbm>>) target(%arg5 : memref<128xi32, #tpu.memory_space<vmem>>) target_semaphore(%run_scoped3A : memref<!tpu.dma_semaphore, #tpu.memory_space<semaphore_mem>>)
      %dma_wait3A_9 = tpu.memref_slice %arg3[%mul3A_2] : memref<4096xi32, #tpu.memory_space<hbm>> -> memref<128xi32, #tpu.memory_space<hbm>>
      %dma_wait3A_10 = tpu.memref_slice %arg3[%mul3A_2] : memref<4096xi32, #tpu.memory_space<hbm>> -> memref<128xi32, #tpu.memory_space<hbm>>
      tpu.wait_dma2 semaphore(%run_scoped3A : memref<!tpu.dma_semaphore, #tpu.memory_space<semaphore_mem>>) src(%dma_wait3A_10 : memref<128xi32, #tpu.memory_space<hbm>>) dst(%arg5 : memref<128xi32, #tpu.memory_space<vmem>>)
      tpu.yield
    }) : () -> ()
    %dma_start3A = arith.constant 0 : i32
    %dma_start3A_3 = arith.constant 0 : i32
    %dma_start3A_4 = tpu.memref_slice %arg2[%dma_start3A, %dma_start3A_3] : memref<2048x768xf32, #tpu.memory_space<hbm>> -> memref<2048x768xf32, #tpu.memory_space<hbm>>
    tpu.enqueue_indirect_dma source(%dma_start3A_4 : memref<2048x768xf32, #tpu.memory_space<hbm>>) target(%arg6 : memref<128x768xf32, #tpu.memory_space<vmem>>) offsets(%arg5 : memref<128xi32, #tpu.memory_space<vmem>>) semaphore(%arg7 : memref<!tpu.dma_semaphore, #tpu.memory_space<semaphore_mem>>)
    %dma_wait3A = arith.constant 0 : i32
    %dma_wait3A_5 = arith.constant 0 : i32
    %dma_wait3A_6 = tpu.memref_slice %arg2[%dma_wait3A, %dma_wait3A_5] : memref<2048x768xf32, #tpu.memory_space<hbm>> -> memref<2048x768xf32, #tpu.memory_space<hbm>>
    tpu.wait_indirect_dma semaphore(%arg7 : memref<!tpu.dma_semaphore, #tpu.memory_space<semaphore_mem>>) src(%dma_wait3A_6 : memref<2048x768xf32, #tpu.memory_space<hbm>>) dst(%arg6 : memref<128x768xf32, #tpu.memory_space<vmem>>)
    "tpu.region"() ({
      %run_scoped3A = tpu.sem_alloc : memref<!tpu.dma_semaphore, #tpu.memory_space<semaphore_mem>>
      %dma_start3A_7 = arith.constant 0 : i32
      %dma_start3A_8 = tpu.memref_slice %arg4[%mul3A_2, %dma_start3A_7] : memref<4096x768xf32, #tpu.memory_space<hbm>> -> memref<128x768xf32, #tpu.memory_space<hbm>>
      %dma_start3A_9 = arith.constant 0 : i32
      %dma_start3A_10 = tpu.memref_slice %arg4[%mul3A_2, %dma_start3A_9] : memref<4096x768xf32, #tpu.memory_space<hbm>> -> memref<128x768xf32, #tpu.memory_space<hbm>>
      tpu.enqueue_dma source(%arg6 : memref<128x768xf32, #tpu.memory_space<vmem>>) target(%dma_start3A_10 : memref<128x768xf32, #tpu.memory_space<hbm>>) target_semaphore(%run_scoped3A : memref<!tpu.dma_semaphore, #tpu.memory_space<semaphore_mem>>)
      %dma_wait3A_11 = arith.constant 0 : i32
      %dma_wait3A_12 = tpu.memref_slice %arg4[%mul3A_2, %dma_wait3A_11] : memref<4096x768xf32, #tpu.memory_space<hbm>> -> memref<128x768xf32, #tpu.memory_space<hbm>>
      %dma_wait3A_13 = arith.constant 0 : i32
      %dma_wait3A_14 = tpu.memref_slice %arg4[%mul3A_2, %dma_wait3A_13] : memref<4096x768xf32, #tpu.memory_space<hbm>> -> memref<128x768xf32, #tpu.memory_space<hbm>>
      tpu.wait_dma2 semaphore(%run_scoped3A : memref<!tpu.dma_semaphore, #tpu.memory_space<semaphore_mem>>) src(%arg6 : memref<128x768xf32, #tpu.memory_space<vmem>>) dst(%dma_wait3A_14 : memref<128x768xf32, #tpu.memory_space<hbm>>)
      tpu.yield
    }) : () -> ()
    return
  }
}

module attributes {stable_mosaic.version = 14 : i64} {
  func.func @_qkv_body(%arg0: i32, %arg1: memref<512x768xf32, #tpu.memory_space<vmem>>, %arg2: memref<512x64xf32, #tpu.memory_space<vmem>>, %arg3: memref<512x64xf32, #tpu.memory_space<vmem>>, %arg4: memref<1x768xf32, #tpu.memory_space<vmem>>, %arg5: memref<768x768xbf16, #tpu.memory_space<vmem>>, %arg6: memref<768x768xbf16, #tpu.memory_space<vmem>>, %arg7: memref<768x768xbf16, #tpu.memory_space<vmem>>, %arg8: memref<12x512x64xbf16, #tpu.memory_space<vmem>>, %arg9: memref<12x512x64xbf16, #tpu.memory_space<vmem>>, %arg10: memref<12x512x64xbf16, #tpu.memory_space<vmem>>) attributes {dimension_semantics = [#tpu.dimension_semantics<arbitrary>], iteration_bounds = array<i64: 4>, scalar_prefetch = 0 : i64, scratch_operands = 0 : i64, tpu.core_type = #tpu.core_type<tc>, window_params = [{transform_indices = @transform_0, window_bounds = array<i64: 512, 768>}, {transform_indices = @transform_1, window_bounds = array<i64: 512, 64>}, {transform_indices = @transform_2, window_bounds = array<i64: 512, 64>}, {pipeline_mode = #tpu.pipeline_mode<synchronous>, transform_indices = @transform_3, window_bounds = array<i64: 1, 768>}, {pipeline_mode = #tpu.pipeline_mode<synchronous>, transform_indices = @transform_4, window_bounds = array<i64: 768, 768>}, {pipeline_mode = #tpu.pipeline_mode<synchronous>, transform_indices = @transform_5, window_bounds = array<i64: 768, 768>}, {pipeline_mode = #tpu.pipeline_mode<synchronous>, transform_indices = @transform_6, window_bounds = array<i64: 768, 768>}, {transform_indices = @transform_7, window_bounds = array<i64: 12, 512, 64>}, {transform_indices = @transform_8, window_bounds = array<i64: 12, 512, 64>}, {transform_indices = @transform_9, window_bounds = array<i64: 12, 512, 64>}]} {
    %get3A = arith.constant 0 : index
    %get3A_0 = arith.constant 0 : index
    %get3A_1 = vector.load %arg1[%get3A, %get3A_0] : memref<512x768xf32, #tpu.memory_space<vmem>>, vector<512x768xf32>
    %get3A_2 = arith.constant 0 : index
    %get3A_3 = arith.constant 0 : index
    %get3A_4 = vector.load %arg4[%get3A_2, %get3A_3] : memref<1x768xf32, #tpu.memory_space<vmem>>, vector<1x768xf32>
    %mul3A = arith.mulf %get3A_1, %get3A_1 : vector<512x768xf32>
    %reduce_sum3A = arith.constant dense<0.000000e+00> : vector<512xf32>
    %reduce_sum3A_5 = vector.multi_reduction <add>, %mul3A, %reduce_sum3A [1] : vector<512x768xf32> to vector<512xf32>
    %broadcast_in_dim3A = vector.shape_cast %reduce_sum3A_5 : vector<512xf32> to vector<512x1xf32>
    %div3A = arith.constant 7.680000e+02 : f32
    %div3A_6 = vector.broadcast %div3A : f32 to vector<512x1xf32>
    %div3A_7 = arith.divf %broadcast_in_dim3A, %div3A_6 : vector<512x1xf32>
    %add3A = arith.constant 9.99999974E-6 : f32
    %add3A_8 = vector.broadcast %add3A : f32 to vector<512x1xf32>
    %add3A_9 = arith.addf %div3A_7, %add3A_8 : vector<512x1xf32>
    %rsqrt3A = math.rsqrt %add3A_9 : vector<512x1xf32>
    %mul3A_10 = vector.broadcast %rsqrt3A : vector<512x1xf32> to vector<512x768xf32>
    %mul3A_11 = arith.mulf %get3A_1, %mul3A_10 : vector<512x768xf32>
    %mul3A_12 = vector.broadcast %get3A_4 : vector<1x768xf32> to vector<512x768xf32>
    %mul3A_13 = arith.mulf %mul3A_11, %mul3A_12 : vector<512x768xf32>
    %convert_element_type3A = arith.truncf %mul3A_13 : vector<512x768xf32> to vector<512x768xbf16>
    %get3A_14 = arith.constant 0 : index
    %get3A_15 = arith.constant 0 : index
    %get3A_16 = vector.load %arg2[%get3A_14, %get3A_15] : memref<512x64xf32, #tpu.memory_space<vmem>>, vector<512x64xf32>
    %concatenate3A = tpu.concatenate %get3A_16, %get3A_16, %get3A_16, %get3A_16, %get3A_16, %get3A_16, %get3A_16, %get3A_16, %get3A_16, %get3A_16, %get3A_16, %get3A_16 in 1 : vector<512x64xf32>, vector<512x64xf32>, vector<512x64xf32>, vector<512x64xf32>, vector<512x64xf32>, vector<512x64xf32>, vector<512x64xf32>, vector<512x64xf32>, vector<512x64xf32>, vector<512x64xf32>, vector<512x64xf32>, vector<512x64xf32> -> vector<512x768xf32>
    %get3A_17 = arith.constant 0 : index
    %get3A_18 = arith.constant 0 : index
    %get3A_19 = vector.load %arg3[%get3A_17, %get3A_18] : memref<512x64xf32, #tpu.memory_space<vmem>>, vector<512x64xf32>
    %concatenate3A_20 = tpu.concatenate %get3A_19, %get3A_19, %get3A_19, %get3A_19, %get3A_19, %get3A_19, %get3A_19, %get3A_19, %get3A_19, %get3A_19, %get3A_19, %get3A_19 in 1 : vector<512x64xf32>, vector<512x64xf32>, vector<512x64xf32>, vector<512x64xf32>, vector<512x64xf32>, vector<512x64xf32>, vector<512x64xf32>, vector<512x64xf32>, vector<512x64xf32>, vector<512x64xf32>, vector<512x64xf32>, vector<512x64xf32> -> vector<512x768xf32>
    %get3A_21 = arith.constant 0 : index
    %get3A_22 = arith.constant 0 : index
    %get3A_23 = vector.load %arg5[%get3A_21, %get3A_22] : memref<768x768xbf16, #tpu.memory_space<vmem>>, vector<768x768xbf16>
    %dot_general3A = arith.constant dense<0.000000e+00> : vector<512x768xf32>
    %dot_general3A_24 = tpu.matmul %convert_element_type3A, %get3A_23, %dot_general3A {dimension_numbers = #tpu.dot_dimension_numbers<[1], [0], [0], [1], [0, 0, 1, 1], [], []>, transpose_lhs_hint = false} : vector<512x768xbf16>, vector<768x768xbf16>, vector<512x768xf32> -> vector<512x768xf32>
    %get3A_25 = arith.constant 0 : index
    %get3A_26 = arith.constant 0 : index
    %get3A_27 = vector.load %arg6[%get3A_25, %get3A_26] : memref<768x768xbf16, #tpu.memory_space<vmem>>, vector<768x768xbf16>
    %dot_general3A_28 = arith.constant dense<0.000000e+00> : vector<512x768xf32>
    %dot_general3A_29 = tpu.matmul %convert_element_type3A, %get3A_27, %dot_general3A_28 {dimension_numbers = #tpu.dot_dimension_numbers<[1], [0], [0], [1], [0, 0, 1, 1], [], []>, transpose_lhs_hint = false} : vector<512x768xbf16>, vector<768x768xbf16>, vector<512x768xf32> -> vector<512x768xf32>
    %get3A_30 = arith.constant 0 : index
    %get3A_31 = arith.constant 0 : index
    %get3A_32 = vector.load %arg7[%get3A_30, %get3A_31] : memref<768x768xbf16, #tpu.memory_space<vmem>>, vector<768x768xbf16>
    %dot_general3A_33 = arith.constant dense<0.000000e+00> : vector<512x768xf32>
    %dot_general3A_34 = tpu.matmul %convert_element_type3A, %get3A_32, %dot_general3A_33 {dimension_numbers = #tpu.dot_dimension_numbers<[1], [0], [0], [1], [0, 0, 1, 1], [], []>, transpose_lhs_hint = false} : vector<512x768xbf16>, vector<768x768xbf16>, vector<512x768xf32> -> vector<512x768xf32>
    %mul3A_35 = arith.mulf %dot_general3A_24, %concatenate3A : vector<512x768xf32>
    %slice3A = vector.extract_strided_slice %dot_general3A_24 {offsets = [0, 32], sizes = [512, 32], strides = [1, 1]} : vector<512x768xf32> to vector<512x32xf32>
    %neg3A = arith.constant 0.000000e+00 : f32
    %neg3A_36 = vector.broadcast %neg3A : f32 to vector<512x32xf32>
    %neg3A_37 = arith.subf %neg3A_36, %slice3A : vector<512x32xf32>
    %slice3A_38 = vector.extract_strided_slice %dot_general3A_24 {offsets = [0, 0], sizes = [512, 32], strides = [1, 1]} : vector<512x768xf32> to vector<512x32xf32>
    %slice3A_39 = vector.extract_strided_slice %dot_general3A_24 {offsets = [0, 96], sizes = [512, 32], strides = [1, 1]} : vector<512x768xf32> to vector<512x32xf32>
    %neg3A_40 = arith.constant 0.000000e+00 : f32
    %neg3A_41 = vector.broadcast %neg3A_40 : f32 to vector<512x32xf32>
    %neg3A_42 = arith.subf %neg3A_41, %slice3A_39 : vector<512x32xf32>
    %slice3A_43 = vector.extract_strided_slice %dot_general3A_24 {offsets = [0, 64], sizes = [512, 32], strides = [1, 1]} : vector<512x768xf32> to vector<512x32xf32>
    %slice3A_44 = vector.extract_strided_slice %dot_general3A_24 {offsets = [0, 160], sizes = [512, 32], strides = [1, 1]} : vector<512x768xf32> to vector<512x32xf32>
    %neg3A_45 = arith.constant 0.000000e+00 : f32
    %neg3A_46 = vector.broadcast %neg3A_45 : f32 to vector<512x32xf32>
    %neg3A_47 = arith.subf %neg3A_46, %slice3A_44 : vector<512x32xf32>
    %slice3A_48 = vector.extract_strided_slice %dot_general3A_24 {offsets = [0, 128], sizes = [512, 32], strides = [1, 1]} : vector<512x768xf32> to vector<512x32xf32>
    %slice3A_49 = vector.extract_strided_slice %dot_general3A_24 {offsets = [0, 224], sizes = [512, 32], strides = [1, 1]} : vector<512x768xf32> to vector<512x32xf32>
    %neg3A_50 = arith.constant 0.000000e+00 : f32
    %neg3A_51 = vector.broadcast %neg3A_50 : f32 to vector<512x32xf32>
    %neg3A_52 = arith.subf %neg3A_51, %slice3A_49 : vector<512x32xf32>
    %slice3A_53 = vector.extract_strided_slice %dot_general3A_24 {offsets = [0, 192], sizes = [512, 32], strides = [1, 1]} : vector<512x768xf32> to vector<512x32xf32>
    %slice3A_54 = vector.extract_strided_slice %dot_general3A_24 {offsets = [0, 288], sizes = [512, 32], strides = [1, 1]} : vector<512x768xf32> to vector<512x32xf32>
    %neg3A_55 = arith.constant 0.000000e+00 : f32
    %neg3A_56 = vector.broadcast %neg3A_55 : f32 to vector<512x32xf32>
    %neg3A_57 = arith.subf %neg3A_56, %slice3A_54 : vector<512x32xf32>
    %slice3A_58 = vector.extract_strided_slice %dot_general3A_24 {offsets = [0, 256], sizes = [512, 32], strides = [1, 1]} : vector<512x768xf32> to vector<512x32xf32>
    %slice3A_59 = vector.extract_strided_slice %dot_general3A_24 {offsets = [0, 352], sizes = [512, 32], strides = [1, 1]} : vector<512x768xf32> to vector<512x32xf32>
    %neg3A_60 = arith.constant 0.000000e+00 : f32
    %neg3A_61 = vector.broadcast %neg3A_60 : f32 to vector<512x32xf32>
    %neg3A_62 = arith.subf %neg3A_61, %slice3A_59 : vector<512x32xf32>
    %slice3A_63 = vector.extract_strided_slice %dot_general3A_24 {offsets = [0, 320], sizes = [512, 32], strides = [1, 1]} : vector<512x768xf32> to vector<512x32xf32>
    %slice3A_64 = vector.extract_strided_slice %dot_general3A_24 {offsets = [0, 416], sizes = [512, 32], strides = [1, 1]} : vector<512x768xf32> to vector<512x32xf32>
    %neg3A_65 = arith.constant 0.000000e+00 : f32
    %neg3A_66 = vector.broadcast %neg3A_65 : f32 to vector<512x32xf32>
    %neg3A_67 = arith.subf %neg3A_66, %slice3A_64 : vector<512x32xf32>
    %slice3A_68 = vector.extract_strided_slice %dot_general3A_24 {offsets = [0, 384], sizes = [512, 32], strides = [1, 1]} : vector<512x768xf32> to vector<512x32xf32>
    %slice3A_69 = vector.extract_strided_slice %dot_general3A_24 {offsets = [0, 480], sizes = [512, 32], strides = [1, 1]} : vector<512x768xf32> to vector<512x32xf32>
    %neg3A_70 = arith.constant 0.000000e+00 : f32
    %neg3A_71 = vector.broadcast %neg3A_70 : f32 to vector<512x32xf32>
    %neg3A_72 = arith.subf %neg3A_71, %slice3A_69 : vector<512x32xf32>
    %slice3A_73 = vector.extract_strided_slice %dot_general3A_24 {offsets = [0, 448], sizes = [512, 32], strides = [1, 1]} : vector<512x768xf32> to vector<512x32xf32>
    %slice3A_74 = vector.extract_strided_slice %dot_general3A_24 {offsets = [0, 544], sizes = [512, 32], strides = [1, 1]} : vector<512x768xf32> to vector<512x32xf32>
    %neg3A_75 = arith.constant 0.000000e+00 : f32
    %neg3A_76 = vector.broadcast %neg3A_75 : f32 to vector<512x32xf32>
    %neg3A_77 = arith.subf %neg3A_76, %slice3A_74 : vector<512x32xf32>
    %slice3A_78 = vector.extract_strided_slice %dot_general3A_24 {offsets = [0, 512], sizes = [512, 32], strides = [1, 1]} : vector<512x768xf32> to vector<512x32xf32>
    %slice3A_79 = vector.extract_strided_slice %dot_general3A_24 {offsets = [0, 608], sizes = [512, 32], strides = [1, 1]} : vector<512x768xf32> to vector<512x32xf32>
    %neg3A_80 = arith.constant 0.000000e+00 : f32
    %neg3A_81 = vector.broadcast %neg3A_80 : f32 to vector<512x32xf32>
    %neg3A_82 = arith.subf %neg3A_81, %slice3A_79 : vector<512x32xf32>
    %slice3A_83 = vector.extract_strided_slice %dot_general3A_24 {offsets = [0, 576], sizes = [512, 32], strides = [1, 1]} : vector<512x768xf32> to vector<512x32xf32>
    %slice3A_84 = vector.extract_strided_slice %dot_general3A_24 {offsets = [0, 672], sizes = [512, 32], strides = [1, 1]} : vector<512x768xf32> to vector<512x32xf32>
    %neg3A_85 = arith.constant 0.000000e+00 : f32
    %neg3A_86 = vector.broadcast %neg3A_85 : f32 to vector<512x32xf32>
    %neg3A_87 = arith.subf %neg3A_86, %slice3A_84 : vector<512x32xf32>
    %slice3A_88 = vector.extract_strided_slice %dot_general3A_24 {offsets = [0, 640], sizes = [512, 32], strides = [1, 1]} : vector<512x768xf32> to vector<512x32xf32>
    %slice3A_89 = vector.extract_strided_slice %dot_general3A_24 {offsets = [0, 736], sizes = [512, 32], strides = [1, 1]} : vector<512x768xf32> to vector<512x32xf32>
    %neg3A_90 = arith.constant 0.000000e+00 : f32
    %neg3A_91 = vector.broadcast %neg3A_90 : f32 to vector<512x32xf32>
    %neg3A_92 = arith.subf %neg3A_91, %slice3A_89 : vector<512x32xf32>
    %slice3A_93 = vector.extract_strided_slice %dot_general3A_24 {offsets = [0, 704], sizes = [512, 32], strides = [1, 1]} : vector<512x768xf32> to vector<512x32xf32>
    %concatenate3A_94 = tpu.concatenate %neg3A_37, %slice3A_38, %neg3A_42, %slice3A_43, %neg3A_47, %slice3A_48, %neg3A_52, %slice3A_53, %neg3A_57, %slice3A_58, %neg3A_62, %slice3A_63, %neg3A_67, %slice3A_68, %neg3A_72, %slice3A_73, %neg3A_77, %slice3A_78, %neg3A_82, %slice3A_83, %neg3A_87, %slice3A_88, %neg3A_92, %slice3A_93 in 1 : vector<512x32xf32>, vector<512x32xf32>, vector<512x32xf32>, vector<512x32xf32>, vector<512x32xf32>, vector<512x32xf32>, vector<512x32xf32>, vector<512x32xf32>, vector<512x32xf32>, vector<512x32xf32>, vector<512x32xf32>, vector<512x32xf32>, vector<512x32xf32>, vector<512x32xf32>, vector<512x32xf32>, vector<512x32xf32>, vector<512x32xf32>, vector<512x32xf32>, vector<512x32xf32>, vector<512x32xf32>, vector<512x32xf32>, vector<512x32xf32>, vector<512x32xf32>, vector<512x32xf32> -> vector<512x768xf32>
    %mul3A_95 = arith.mulf %concatenate3A_94, %concatenate3A_20 : vector<512x768xf32>
    %add3A_96 = arith.addf %mul3A_35, %mul3A_95 : vector<512x768xf32>
    %convert_element_type3A_97 = arith.truncf %add3A_96 : vector<512x768xf32> to vector<512x768xbf16>
    %mul3A_98 = arith.mulf %dot_general3A_29, %concatenate3A : vector<512x768xf32>
    %slice3A_99 = vector.extract_strided_slice %dot_general3A_29 {offsets = [0, 32], sizes = [512, 32], strides = [1, 1]} : vector<512x768xf32> to vector<512x32xf32>
    %neg3A_100 = arith.constant 0.000000e+00 : f32
    %neg3A_101 = vector.broadcast %neg3A_100 : f32 to vector<512x32xf32>
    %neg3A_102 = arith.subf %neg3A_101, %slice3A_99 : vector<512x32xf32>
    %slice3A_103 = vector.extract_strided_slice %dot_general3A_29 {offsets = [0, 0], sizes = [512, 32], strides = [1, 1]} : vector<512x768xf32> to vector<512x32xf32>
    %slice3A_104 = vector.extract_strided_slice %dot_general3A_29 {offsets = [0, 96], sizes = [512, 32], strides = [1, 1]} : vector<512x768xf32> to vector<512x32xf32>
    %neg3A_105 = arith.constant 0.000000e+00 : f32
    %neg3A_106 = vector.broadcast %neg3A_105 : f32 to vector<512x32xf32>
    %neg3A_107 = arith.subf %neg3A_106, %slice3A_104 : vector<512x32xf32>
    %slice3A_108 = vector.extract_strided_slice %dot_general3A_29 {offsets = [0, 64], sizes = [512, 32], strides = [1, 1]} : vector<512x768xf32> to vector<512x32xf32>
    %slice3A_109 = vector.extract_strided_slice %dot_general3A_29 {offsets = [0, 160], sizes = [512, 32], strides = [1, 1]} : vector<512x768xf32> to vector<512x32xf32>
    %neg3A_110 = arith.constant 0.000000e+00 : f32
    %neg3A_111 = vector.broadcast %neg3A_110 : f32 to vector<512x32xf32>
    %neg3A_112 = arith.subf %neg3A_111, %slice3A_109 : vector<512x32xf32>
    %slice3A_113 = vector.extract_strided_slice %dot_general3A_29 {offsets = [0, 128], sizes = [512, 32], strides = [1, 1]} : vector<512x768xf32> to vector<512x32xf32>
    %slice3A_114 = vector.extract_strided_slice %dot_general3A_29 {offsets = [0, 224], sizes = [512, 32], strides = [1, 1]} : vector<512x768xf32> to vector<512x32xf32>
    %neg3A_115 = arith.constant 0.000000e+00 : f32
    %neg3A_116 = vector.broadcast %neg3A_115 : f32 to vector<512x32xf32>
    %neg3A_117 = arith.subf %neg3A_116, %slice3A_114 : vector<512x32xf32>
    %slice3A_118 = vector.extract_strided_slice %dot_general3A_29 {offsets = [0, 192], sizes = [512, 32], strides = [1, 1]} : vector<512x768xf32> to vector<512x32xf32>
    %slice3A_119 = vector.extract_strided_slice %dot_general3A_29 {offsets = [0, 288], sizes = [512, 32], strides = [1, 1]} : vector<512x768xf32> to vector<512x32xf32>
    %neg3A_120 = arith.constant 0.000000e+00 : f32
    %neg3A_121 = vector.broadcast %neg3A_120 : f32 to vector<512x32xf32>
    %neg3A_122 = arith.subf %neg3A_121, %slice3A_119 : vector<512x32xf32>
    %slice3A_123 = vector.extract_strided_slice %dot_general3A_29 {offsets = [0, 256], sizes = [512, 32], strides = [1, 1]} : vector<512x768xf32> to vector<512x32xf32>
    %slice3A_124 = vector.extract_strided_slice %dot_general3A_29 {offsets = [0, 352], sizes = [512, 32], strides = [1, 1]} : vector<512x768xf32> to vector<512x32xf32>
    %neg3A_125 = arith.constant 0.000000e+00 : f32
    %neg3A_126 = vector.broadcast %neg3A_125 : f32 to vector<512x32xf32>
    %neg3A_127 = arith.subf %neg3A_126, %slice3A_124 : vector<512x32xf32>
    %slice3A_128 = vector.extract_strided_slice %dot_general3A_29 {offsets = [0, 320], sizes = [512, 32], strides = [1, 1]} : vector<512x768xf32> to vector<512x32xf32>
    %slice3A_129 = vector.extract_strided_slice %dot_general3A_29 {offsets = [0, 416], sizes = [512, 32], strides = [1, 1]} : vector<512x768xf32> to vector<512x32xf32>
    %neg3A_130 = arith.constant 0.000000e+00 : f32
    %neg3A_131 = vector.broadcast %neg3A_130 : f32 to vector<512x32xf32>
    %neg3A_132 = arith.subf %neg3A_131, %slice3A_129 : vector<512x32xf32>
    %slice3A_133 = vector.extract_strided_slice %dot_general3A_29 {offsets = [0, 384], sizes = [512, 32], strides = [1, 1]} : vector<512x768xf32> to vector<512x32xf32>
    %slice3A_134 = vector.extract_strided_slice %dot_general3A_29 {offsets = [0, 480], sizes = [512, 32], strides = [1, 1]} : vector<512x768xf32> to vector<512x32xf32>
    %neg3A_135 = arith.constant 0.000000e+00 : f32
    %neg3A_136 = vector.broadcast %neg3A_135 : f32 to vector<512x32xf32>
    %neg3A_137 = arith.subf %neg3A_136, %slice3A_134 : vector<512x32xf32>
    %slice3A_138 = vector.extract_strided_slice %dot_general3A_29 {offsets = [0, 448], sizes = [512, 32], strides = [1, 1]} : vector<512x768xf32> to vector<512x32xf32>
    %slice3A_139 = vector.extract_strided_slice %dot_general3A_29 {offsets = [0, 544], sizes = [512, 32], strides = [1, 1]} : vector<512x768xf32> to vector<512x32xf32>
    %neg3A_140 = arith.constant 0.000000e+00 : f32
    %neg3A_141 = vector.broadcast %neg3A_140 : f32 to vector<512x32xf32>
    %neg3A_142 = arith.subf %neg3A_141, %slice3A_139 : vector<512x32xf32>
    %slice3A_143 = vector.extract_strided_slice %dot_general3A_29 {offsets = [0, 512], sizes = [512, 32], strides = [1, 1]} : vector<512x768xf32> to vector<512x32xf32>
    %slice3A_144 = vector.extract_strided_slice %dot_general3A_29 {offsets = [0, 608], sizes = [512, 32], strides = [1, 1]} : vector<512x768xf32> to vector<512x32xf32>
    %neg3A_145 = arith.constant 0.000000e+00 : f32
    %neg3A_146 = vector.broadcast %neg3A_145 : f32 to vector<512x32xf32>
    %neg3A_147 = arith.subf %neg3A_146, %slice3A_144 : vector<512x32xf32>
    %slice3A_148 = vector.extract_strided_slice %dot_general3A_29 {offsets = [0, 576], sizes = [512, 32], strides = [1, 1]} : vector<512x768xf32> to vector<512x32xf32>
    %slice3A_149 = vector.extract_strided_slice %dot_general3A_29 {offsets = [0, 672], sizes = [512, 32], strides = [1, 1]} : vector<512x768xf32> to vector<512x32xf32>
    %neg3A_150 = arith.constant 0.000000e+00 : f32
    %neg3A_151 = vector.broadcast %neg3A_150 : f32 to vector<512x32xf32>
    %neg3A_152 = arith.subf %neg3A_151, %slice3A_149 : vector<512x32xf32>
    %slice3A_153 = vector.extract_strided_slice %dot_general3A_29 {offsets = [0, 640], sizes = [512, 32], strides = [1, 1]} : vector<512x768xf32> to vector<512x32xf32>
    %slice3A_154 = vector.extract_strided_slice %dot_general3A_29 {offsets = [0, 736], sizes = [512, 32], strides = [1, 1]} : vector<512x768xf32> to vector<512x32xf32>
    %neg3A_155 = arith.constant 0.000000e+00 : f32
    %neg3A_156 = vector.broadcast %neg3A_155 : f32 to vector<512x32xf32>
    %neg3A_157 = arith.subf %neg3A_156, %slice3A_154 : vector<512x32xf32>
    %slice3A_158 = vector.extract_strided_slice %dot_general3A_29 {offsets = [0, 704], sizes = [512, 32], strides = [1, 1]} : vector<512x768xf32> to vector<512x32xf32>
    %concatenate3A_159 = tpu.concatenate %neg3A_102, %slice3A_103, %neg3A_107, %slice3A_108, %neg3A_112, %slice3A_113, %neg3A_117, %slice3A_118, %neg3A_122, %slice3A_123, %neg3A_127, %slice3A_128, %neg3A_132, %slice3A_133, %neg3A_137, %slice3A_138, %neg3A_142, %slice3A_143, %neg3A_147, %slice3A_148, %neg3A_152, %slice3A_153, %neg3A_157, %slice3A_158 in 1 : vector<512x32xf32>, vector<512x32xf32>, vector<512x32xf32>, vector<512x32xf32>, vector<512x32xf32>, vector<512x32xf32>, vector<512x32xf32>, vector<512x32xf32>, vector<512x32xf32>, vector<512x32xf32>, vector<512x32xf32>, vector<512x32xf32>, vector<512x32xf32>, vector<512x32xf32>, vector<512x32xf32>, vector<512x32xf32>, vector<512x32xf32>, vector<512x32xf32>, vector<512x32xf32>, vector<512x32xf32>, vector<512x32xf32>, vector<512x32xf32>, vector<512x32xf32>, vector<512x32xf32> -> vector<512x768xf32>
    %mul3A_160 = arith.mulf %concatenate3A_159, %concatenate3A_20 : vector<512x768xf32>
    %add3A_161 = arith.addf %mul3A_98, %mul3A_160 : vector<512x768xf32>
    %convert_element_type3A_162 = arith.truncf %add3A_161 : vector<512x768xf32> to vector<512x768xbf16>
    %convert_element_type3A_163 = arith.truncf %dot_general3A_34 : vector<512x768xf32> to vector<512x768xbf16>
    %slice3A_164 = vector.extract_strided_slice %convert_element_type3A_97 {offsets = [0, 0], sizes = [512, 64], strides = [1, 1]} : vector<512x768xbf16> to vector<512x64xbf16>
    %swap3A = arith.constant 0 : index
    %swap3A_165 = arith.constant 0 : index
    %swap3A_166 = arith.constant 0 : index
    %swap3A_167 = vector.load %arg8[%swap3A, %swap3A_165, %swap3A_166] : memref<12x512x64xbf16, #tpu.memory_space<vmem>>, vector<1x512x64xbf16>
    %swap3A_168 = vector.shape_cast %swap3A_167 : vector<1x512x64xbf16> to vector<512x64xbf16>
    %swap3A_169 = vector.shape_cast %slice3A_164 : vector<512x64xbf16> to vector<1x512x64xbf16>
    tpu.vector_store %arg8[%swap3A, %swap3A_165, %swap3A_166], %swap3A_169 {strides = array<i32>} : memref<12x512x64xbf16, #tpu.memory_space<vmem>>, vector<1x512x64xbf16>,
    %slice3A_170 = vector.extract_strided_slice %convert_element_type3A_162 {offsets = [0, 0], sizes = [512, 64], strides = [1, 1]} : vector<512x768xbf16> to vector<512x64xbf16>
    %swap3A_171 = arith.constant 0 : index
    %swap3A_172 = arith.constant 0 : index
    %swap3A_173 = arith.constant 0 : index
    %swap3A_174 = vector.load %arg9[%swap3A_171, %swap3A_172, %swap3A_173] : memref<12x512x64xbf16, #tpu.memory_space<vmem>>, vector<1x512x64xbf16>
    %swap3A_175 = vector.shape_cast %swap3A_174 : vector<1x512x64xbf16> to vector<512x64xbf16>
    %swap3A_176 = vector.shape_cast %slice3A_170 : vector<512x64xbf16> to vector<1x512x64xbf16>
    tpu.vector_store %arg9[%swap3A_171, %swap3A_172, %swap3A_173], %swap3A_176 {strides = array<i32>} : memref<12x512x64xbf16, #tpu.memory_space<vmem>>, vector<1x512x64xbf16>,
    %slice3A_177 = vector.extract_strided_slice %convert_element_type3A_163 {offsets = [0, 0], sizes = [512, 64], strides = [1, 1]} : vector<512x768xbf16> to vector<512x64xbf16>
    %swap3A_178 = arith.constant 0 : index
    %swap3A_179 = arith.constant 0 : index
    %swap3A_180 = arith.constant 0 : index
    %swap3A_181 = vector.load %arg10[%swap3A_178, %swap3A_179, %swap3A_180] : memref<12x512x64xbf16, #tpu.memory_space<vmem>>, vector<1x512x64xbf16>
    %swap3A_182 = vector.shape_cast %swap3A_181 : vector<1x512x64xbf16> to vector<512x64xbf16>
    %swap3A_183 = vector.shape_cast %slice3A_177 : vector<512x64xbf16> to vector<1x512x64xbf16>
    tpu.vector_store %arg10[%swap3A_178, %swap3A_179, %swap3A_180], %swap3A_183 {strides = array<i32>} : memref<12x512x64xbf16, #tpu.memory_space<vmem>>, vector<1x512x64xbf16>,
    %slice3A_184 = vector.extract_strided_slice %convert_element_type3A_97 {offsets = [0, 64], sizes = [512, 64], strides = [1, 1]} : vector<512x768xbf16> to vector<512x64xbf16>
    %swap3A_185 = arith.constant 1 : index
    %swap3A_186 = arith.constant 0 : index
    %swap3A_187 = arith.constant 0 : index
    %swap3A_188 = vector.load %arg8[%swap3A_185, %swap3A_186, %swap3A_187] : memref<12x512x64xbf16, #tpu.memory_space<vmem>>, vector<1x512x64xbf16>
    %swap3A_189 = vector.shape_cast %swap3A_188 : vector<1x512x64xbf16> to vector<512x64xbf16>
    %swap3A_190 = vector.shape_cast %slice3A_184 : vector<512x64xbf16> to vector<1x512x64xbf16>
    tpu.vector_store %arg8[%swap3A_185, %swap3A_186, %swap3A_187], %swap3A_190 {strides = array<i32>} : memref<12x512x64xbf16, #tpu.memory_space<vmem>>, vector<1x512x64xbf16>,
    %slice3A_191 = vector.extract_strided_slice %convert_element_type3A_162 {offsets = [0, 64], sizes = [512, 64], strides = [1, 1]} : vector<512x768xbf16> to vector<512x64xbf16>
    %swap3A_192 = arith.constant 1 : index
    %swap3A_193 = arith.constant 0 : index
    %swap3A_194 = arith.constant 0 : index
    %swap3A_195 = vector.load %arg9[%swap3A_192, %swap3A_193, %swap3A_194] : memref<12x512x64xbf16, #tpu.memory_space<vmem>>, vector<1x512x64xbf16>
    %swap3A_196 = vector.shape_cast %swap3A_195 : vector<1x512x64xbf16> to vector<512x64xbf16>
    %swap3A_197 = vector.shape_cast %slice3A_191 : vector<512x64xbf16> to vector<1x512x64xbf16>
    tpu.vector_store %arg9[%swap3A_192, %swap3A_193, %swap3A_194], %swap3A_197 {strides = array<i32>} : memref<12x512x64xbf16, #tpu.memory_space<vmem>>, vector<1x512x64xbf16>,
    %slice3A_198 = vector.extract_strided_slice %convert_element_type3A_163 {offsets = [0, 64], sizes = [512, 64], strides = [1, 1]} : vector<512x768xbf16> to vector<512x64xbf16>
    %swap3A_199 = arith.constant 1 : index
    %swap3A_200 = arith.constant 0 : index
    %swap3A_201 = arith.constant 0 : index
    %swap3A_202 = vector.load %arg10[%swap3A_199, %swap3A_200, %swap3A_201] : memref<12x512x64xbf16, #tpu.memory_space<vmem>>, vector<1x512x64xbf16>
    %swap3A_203 = vector.shape_cast %swap3A_202 : vector<1x512x64xbf16> to vector<512x64xbf16>
    %swap3A_204 = vector.shape_cast %slice3A_198 : vector<512x64xbf16> to vector<1x512x64xbf16>
    tpu.vector_store %arg10[%swap3A_199, %swap3A_200, %swap3A_201], %swap3A_204 {strides = array<i32>} : memref<12x512x64xbf16, #tpu.memory_space<vmem>>, vector<1x512x64xbf16>,
    %slice3A_205 = vector.extract_strided_slice %convert_element_type3A_97 {offsets = [0, 128], sizes = [512, 64], strides = [1, 1]} : vector<512x768xbf16> to vector<512x64xbf16>
    %swap3A_206 = arith.constant 2 : index
    %swap3A_207 = arith.constant 0 : index
    %swap3A_208 = arith.constant 0 : index
    %swap3A_209 = vector.load %arg8[%swap3A_206, %swap3A_207, %swap3A_208] : memref<12x512x64xbf16, #tpu.memory_space<vmem>>, vector<1x512x64xbf16>
    %swap3A_210 = vector.shape_cast %swap3A_209 : vector<1x512x64xbf16> to vector<512x64xbf16>
    %swap3A_211 = vector.shape_cast %slice3A_205 : vector<512x64xbf16> to vector<1x512x64xbf16>
    tpu.vector_store %arg8[%swap3A_206, %swap3A_207, %swap3A_208], %swap3A_211 {strides = array<i32>} : memref<12x512x64xbf16, #tpu.memory_space<vmem>>, vector<1x512x64xbf16>,
    %slice3A_212 = vector.extract_strided_slice %convert_element_type3A_162 {offsets = [0, 128], sizes = [512, 64], strides = [1, 1]} : vector<512x768xbf16> to vector<512x64xbf16>
    %swap3A_213 = arith.constant 2 : index
    %swap3A_214 = arith.constant 0 : index
    %swap3A_215 = arith.constant 0 : index
    %swap3A_216 = vector.load %arg9[%swap3A_213, %swap3A_214, %swap3A_215] : memref<12x512x64xbf16, #tpu.memory_space<vmem>>, vector<1x512x64xbf16>
    %swap3A_217 = vector.shape_cast %swap3A_216 : vector<1x512x64xbf16> to vector<512x64xbf16>
    %swap3A_218 = vector.shape_cast %slice3A_212 : vector<512x64xbf16> to vector<1x512x64xbf16>
    tpu.vector_store %arg9[%swap3A_213, %swap3A_214, %swap3A_215], %swap3A_218 {strides = array<i32>} : memref<12x512x64xbf16, #tpu.memory_space<vmem>>, vector<1x512x64xbf16>,
    %slice3A_219 = vector.extract_strided_slice %convert_element_type3A_163 {offsets = [0, 128], sizes = [512, 64], strides = [1, 1]} : vector<512x768xbf16> to vector<512x64xbf16>
    %swap3A_220 = arith.constant 2 : index
    %swap3A_221 = arith.constant 0 : index
    %swap3A_222 = arith.constant 0 : index
    %swap3A_223 = vector.load %arg10[%swap3A_220, %swap3A_221, %swap3A_222] : memref<12x512x64xbf16, #tpu.memory_space<vmem>>, vector<1x512x64xbf16>
    %swap3A_224 = vector.shape_cast %swap3A_223 : vector<1x512x64xbf16> to vector<512x64xbf16>
    %swap3A_225 = vector.shape_cast %slice3A_219 : vector<512x64xbf16> to vector<1x512x64xbf16>
    tpu.vector_store %arg10[%swap3A_220, %swap3A_221, %swap3A_222], %swap3A_225 {strides = array<i32>} : memref<12x512x64xbf16, #tpu.memory_space<vmem>>, vector<1x512x64xbf16>,
    %slice3A_226 = vector.extract_strided_slice %convert_element_type3A_97 {offsets = [0, 192], sizes = [512, 64], strides = [1, 1]} : vector<512x768xbf16> to vector<512x64xbf16>
    %swap3A_227 = arith.constant 3 : index
    %swap3A_228 = arith.constant 0 : index
    %swap3A_229 = arith.constant 0 : index
    %swap3A_230 = vector.load %arg8[%swap3A_227, %swap3A_228, %swap3A_229] : memref<12x512x64xbf16, #tpu.memory_space<vmem>>, vector<1x512x64xbf16>
    %swap3A_231 = vector.shape_cast %swap3A_230 : vector<1x512x64xbf16> to vector<512x64xbf16>
    %swap3A_232 = vector.shape_cast %slice3A_226 : vector<512x64xbf16> to vector<1x512x64xbf16>
    tpu.vector_store %arg8[%swap3A_227, %swap3A_228, %swap3A_229], %swap3A_232 {strides = array<i32>} : memref<12x512x64xbf16, #tpu.memory_space<vmem>>, vector<1x512x64xbf16>,
    %slice3A_233 = vector.extract_strided_slice %convert_element_type3A_162 {offsets = [0, 192], sizes = [512, 64], strides = [1, 1]} : vector<512x768xbf16> to vector<512x64xbf16>
    %swap3A_234 = arith.constant 3 : index
    %swap3A_235 = arith.constant 0 : index
    %swap3A_236 = arith.constant 0 : index
    %swap3A_237 = vector.load %arg9[%swap3A_234, %swap3A_235, %swap3A_236] : memref<12x512x64xbf16, #tpu.memory_space<vmem>>, vector<1x512x64xbf16>
    %swap3A_238 = vector.shape_cast %swap3A_237 : vector<1x512x64xbf16> to vector<512x64xbf16>
    %swap3A_239 = vector.shape_cast %slice3A_233 : vector<512x64xbf16> to vector<1x512x64xbf16>
    tpu.vector_store %arg9[%swap3A_234, %swap3A_235, %swap3A_236], %swap3A_239 {strides = array<i32>} : memref<12x512x64xbf16, #tpu.memory_space<vmem>>, vector<1x512x64xbf16>,
    %slice3A_240 = vector.extract_strided_slice %convert_element_type3A_163 {offsets = [0, 192], sizes = [512, 64], strides = [1, 1]} : vector<512x768xbf16> to vector<512x64xbf16>
    %swap3A_241 = arith.constant 3 : index
    %swap3A_242 = arith.constant 0 : index
    %swap3A_243 = arith.constant 0 : index
    %swap3A_244 = vector.load %arg10[%swap3A_241, %swap3A_242, %swap3A_243] : memref<12x512x64xbf16, #tpu.memory_space<vmem>>, vector<1x512x64xbf16>
    %swap3A_245 = vector.shape_cast %swap3A_244 : vector<1x512x64xbf16> to vector<512x64xbf16>
    %swap3A_246 = vector.shape_cast %slice3A_240 : vector<512x64xbf16> to vector<1x512x64xbf16>
    tpu.vector_store %arg10[%swap3A_241, %swap3A_242, %swap3A_243], %swap3A_246 {strides = array<i32>} : memref<12x512x64xbf16, #tpu.memory_space<vmem>>, vector<1x512x64xbf16>,
    %slice3A_247 = vector.extract_strided_slice %convert_element_type3A_97 {offsets = [0, 256], sizes = [512, 64], strides = [1, 1]} : vector<512x768xbf16> to vector<512x64xbf16>
    %swap3A_248 = arith.constant 4 : index
    %swap3A_249 = arith.constant 0 : index
    %swap3A_250 = arith.constant 0 : index
    %swap3A_251 = vector.load %arg8[%swap3A_248, %swap3A_249, %swap3A_250] : memref<12x512x64xbf16, #tpu.memory_space<vmem>>, vector<1x512x64xbf16>
    %swap3A_252 = vector.shape_cast %swap3A_251 : vector<1x512x64xbf16> to vector<512x64xbf16>
    %swap3A_253 = vector.shape_cast %slice3A_247 : vector<512x64xbf16> to vector<1x512x64xbf16>
    tpu.vector_store %arg8[%swap3A_248, %swap3A_249, %swap3A_250], %swap3A_253 {strides = array<i32>} : memref<12x512x64xbf16, #tpu.memory_space<vmem>>, vector<1x512x64xbf16>,
    %slice3A_254 = vector.extract_strided_slice %convert_element_type3A_162 {offsets = [0, 256], sizes = [512, 64], strides = [1, 1]} : vector<512x768xbf16> to vector<512x64xbf16>
    %swap3A_255 = arith.constant 4 : index
    %swap3A_256 = arith.constant 0 : index
    %swap3A_257 = arith.constant 0 : index
    %swap3A_258 = vector.load %arg9[%swap3A_255, %swap3A_256, %swap3A_257] : memref<12x512x64xbf16, #tpu.memory_space<vmem>>, vector<1x512x64xbf16>
    %swap3A_259 = vector.shape_cast %swap3A_258 : vector<1x512x64xbf16> to vector<512x64xbf16>
    %swap3A_260 = vector.shape_cast %slice3A_254 : vector<512x64xbf16> to vector<1x512x64xbf16>
    tpu.vector_store %arg9[%swap3A_255, %swap3A_256, %swap3A_257], %swap3A_260 {strides = array<i32>} : memref<12x512x64xbf16, #tpu.memory_space<vmem>>, vector<1x512x64xbf16>,
    %slice3A_261 = vector.extract_strided_slice %convert_element_type3A_163 {offsets = [0, 256], sizes = [512, 64], strides = [1, 1]} : vector<512x768xbf16> to vector<512x64xbf16>
    %swap3A_262 = arith.constant 4 : index
    %swap3A_263 = arith.constant 0 : index
    %swap3A_264 = arith.constant 0 : index
    %swap3A_265 = vector.load %arg10[%swap3A_262, %swap3A_263, %swap3A_264] : memref<12x512x64xbf16, #tpu.memory_space<vmem>>, vector<1x512x64xbf16>
    %swap3A_266 = vector.shape_cast %swap3A_265 : vector<1x512x64xbf16> to vector<512x64xbf16>
    %swap3A_267 = vector.shape_cast %slice3A_261 : vector<512x64xbf16> to vector<1x512x64xbf16>
    tpu.vector_store %arg10[%swap3A_262, %swap3A_263, %swap3A_264], %swap3A_267 {strides = array<i32>} : memref<12x512x64xbf16, #tpu.memory_space<vmem>>, vector<1x512x64xbf16>,
    %slice3A_268 = vector.extract_strided_slice %convert_element_type3A_97 {offsets = [0, 320], sizes = [512, 64], strides = [1, 1]} : vector<512x768xbf16> to vector<512x64xbf16>
    %swap3A_269 = arith.constant 5 : index
    %swap3A_270 = arith.constant 0 : index
    %swap3A_271 = arith.constant 0 : index
    %swap3A_272 = vector.load %arg8[%swap3A_269, %swap3A_270, %swap3A_271] : memref<12x512x64xbf16, #tpu.memory_space<vmem>>, vector<1x512x64xbf16>
    %swap3A_273 = vector.shape_cast %swap3A_272 : vector<1x512x64xbf16> to vector<512x64xbf16>
    %swap3A_274 = vector.shape_cast %slice3A_268 : vector<512x64xbf16> to vector<1x512x64xbf16>
    tpu.vector_store %arg8[%swap3A_269, %swap3A_270, %swap3A_271], %swap3A_274 {strides = array<i32>} : memref<12x512x64xbf16, #tpu.memory_space<vmem>>, vector<1x512x64xbf16>,
    %slice3A_275 = vector.extract_strided_slice %convert_element_type3A_162 {offsets = [0, 320], sizes = [512, 64], strides = [1, 1]} : vector<512x768xbf16> to vector<512x64xbf16>
    %swap3A_276 = arith.constant 5 : index
    %swap3A_277 = arith.constant 0 : index
    %swap3A_278 = arith.constant 0 : index
    %swap3A_279 = vector.load %arg9[%swap3A_276, %swap3A_277, %swap3A_278] : memref<12x512x64xbf16, #tpu.memory_space<vmem>>, vector<1x512x64xbf16>
    %swap3A_280 = vector.shape_cast %swap3A_279 : vector<1x512x64xbf16> to vector<512x64xbf16>
    %swap3A_281 = vector.shape_cast %slice3A_275 : vector<512x64xbf16> to vector<1x512x64xbf16>
    tpu.vector_store %arg9[%swap3A_276, %swap3A_277, %swap3A_278], %swap3A_281 {strides = array<i32>} : memref<12x512x64xbf16, #tpu.memory_space<vmem>>, vector<1x512x64xbf16>,
    %slice3A_282 = vector.extract_strided_slice %convert_element_type3A_163 {offsets = [0, 320], sizes = [512, 64], strides = [1, 1]} : vector<512x768xbf16> to vector<512x64xbf16>
    %swap3A_283 = arith.constant 5 : index
    %swap3A_284 = arith.constant 0 : index
    %swap3A_285 = arith.constant 0 : index
    %swap3A_286 = vector.load %arg10[%swap3A_283, %swap3A_284, %swap3A_285] : memref<12x512x64xbf16, #tpu.memory_space<vmem>>, vector<1x512x64xbf16>
    %swap3A_287 = vector.shape_cast %swap3A_286 : vector<1x512x64xbf16> to vector<512x64xbf16>
    %swap3A_288 = vector.shape_cast %slice3A_282 : vector<512x64xbf16> to vector<1x512x64xbf16>
    tpu.vector_store %arg10[%swap3A_283, %swap3A_284, %swap3A_285], %swap3A_288 {strides = array<i32>} : memref<12x512x64xbf16, #tpu.memory_space<vmem>>, vector<1x512x64xbf16>,
    %slice3A_289 = vector.extract_strided_slice %convert_element_type3A_97 {offsets = [0, 384], sizes = [512, 64], strides = [1, 1]} : vector<512x768xbf16> to vector<512x64xbf16>
    %swap3A_290 = arith.constant 6 : index
    %swap3A_291 = arith.constant 0 : index
    %swap3A_292 = arith.constant 0 : index
    %swap3A_293 = vector.load %arg8[%swap3A_290, %swap3A_291, %swap3A_292] : memref<12x512x64xbf16, #tpu.memory_space<vmem>>, vector<1x512x64xbf16>
    %swap3A_294 = vector.shape_cast %swap3A_293 : vector<1x512x64xbf16> to vector<512x64xbf16>
    %swap3A_295 = vector.shape_cast %slice3A_289 : vector<512x64xbf16> to vector<1x512x64xbf16>
    tpu.vector_store %arg8[%swap3A_290, %swap3A_291, %swap3A_292], %swap3A_295 {strides = array<i32>} : memref<12x512x64xbf16, #tpu.memory_space<vmem>>, vector<1x512x64xbf16>,
    %slice3A_296 = vector.extract_strided_slice %convert_element_type3A_162 {offsets = [0, 384], sizes = [512, 64], strides = [1, 1]} : vector<512x768xbf16> to vector<512x64xbf16>
    %swap3A_297 = arith.constant 6 : index
    %swap3A_298 = arith.constant 0 : index
    %swap3A_299 = arith.constant 0 : index
    %swap3A_300 = vector.load %arg9[%swap3A_297, %swap3A_298, %swap3A_299] : memref<12x512x64xbf16, #tpu.memory_space<vmem>>, vector<1x512x64xbf16>
    %swap3A_301 = vector.shape_cast %swap3A_300 : vector<1x512x64xbf16> to vector<512x64xbf16>
    %swap3A_302 = vector.shape_cast %slice3A_296 : vector<512x64xbf16> to vector<1x512x64xbf16>
    tpu.vector_store %arg9[%swap3A_297, %swap3A_298, %swap3A_299], %swap3A_302 {strides = array<i32>} : memref<12x512x64xbf16, #tpu.memory_space<vmem>>, vector<1x512x64xbf16>,
    %slice3A_303 = vector.extract_strided_slice %convert_element_type3A_163 {offsets = [0, 384], sizes = [512, 64], strides = [1, 1]} : vector<512x768xbf16> to vector<512x64xbf16>
    %swap3A_304 = arith.constant 6 : index
    %swap3A_305 = arith.constant 0 : index
    %swap3A_306 = arith.constant 0 : index
    %swap3A_307 = vector.load %arg10[%swap3A_304, %swap3A_305, %swap3A_306] : memref<12x512x64xbf16, #tpu.memory_space<vmem>>, vector<1x512x64xbf16>
    %swap3A_308 = vector.shape_cast %swap3A_307 : vector<1x512x64xbf16> to vector<512x64xbf16>
    %swap3A_309 = vector.shape_cast %slice3A_303 : vector<512x64xbf16> to vector<1x512x64xbf16>
    tpu.vector_store %arg10[%swap3A_304, %swap3A_305, %swap3A_306], %swap3A_309 {strides = array<i32>} : memref<12x512x64xbf16, #tpu.memory_space<vmem>>, vector<1x512x64xbf16>,
    %slice3A_310 = vector.extract_strided_slice %convert_element_type3A_97 {offsets = [0, 448], sizes = [512, 64], strides = [1, 1]} : vector<512x768xbf16> to vector<512x64xbf16>
    %swap3A_311 = arith.constant 7 : index
    %swap3A_312 = arith.constant 0 : index
    %swap3A_313 = arith.constant 0 : index
    %swap3A_314 = vector.load %arg8[%swap3A_311, %swap3A_312, %swap3A_313] : memref<12x512x64xbf16, #tpu.memory_space<vmem>>, vector<1x512x64xbf16>
    %swap3A_315 = vector.shape_cast %swap3A_314 : vector<1x512x64xbf16> to vector<512x64xbf16>
    %swap3A_316 = vector.shape_cast %slice3A_310 : vector<512x64xbf16> to vector<1x512x64xbf16>
    tpu.vector_store %arg8[%swap3A_311, %swap3A_312, %swap3A_313], %swap3A_316 {strides = array<i32>} : memref<12x512x64xbf16, #tpu.memory_space<vmem>>, vector<1x512x64xbf16>,
    %slice3A_317 = vector.extract_strided_slice %convert_element_type3A_162 {offsets = [0, 448], sizes = [512, 64], strides = [1, 1]} : vector<512x768xbf16> to vector<512x64xbf16>
    %swap3A_318 = arith.constant 7 : index
    %swap3A_319 = arith.constant 0 : index
    %swap3A_320 = arith.constant 0 : index
    %swap3A_321 = vector.load %arg9[%swap3A_318, %swap3A_319, %swap3A_320] : memref<12x512x64xbf16, #tpu.memory_space<vmem>>, vector<1x512x64xbf16>
    %swap3A_322 = vector.shape_cast %swap3A_321 : vector<1x512x64xbf16> to vector<512x64xbf16>
    %swap3A_323 = vector.shape_cast %slice3A_317 : vector<512x64xbf16> to vector<1x512x64xbf16>
    tpu.vector_store %arg9[%swap3A_318, %swap3A_319, %swap3A_320], %swap3A_323 {strides = array<i32>} : memref<12x512x64xbf16, #tpu.memory_space<vmem>>, vector<1x512x64xbf16>,
    %slice3A_324 = vector.extract_strided_slice %convert_element_type3A_163 {offsets = [0, 448], sizes = [512, 64], strides = [1, 1]} : vector<512x768xbf16> to vector<512x64xbf16>
    %swap3A_325 = arith.constant 7 : index
    %swap3A_326 = arith.constant 0 : index
    %swap3A_327 = arith.constant 0 : index
    %swap3A_328 = vector.load %arg10[%swap3A_325, %swap3A_326, %swap3A_327] : memref<12x512x64xbf16, #tpu.memory_space<vmem>>, vector<1x512x64xbf16>
    %swap3A_329 = vector.shape_cast %swap3A_328 : vector<1x512x64xbf16> to vector<512x64xbf16>
    %swap3A_330 = vector.shape_cast %slice3A_324 : vector<512x64xbf16> to vector<1x512x64xbf16>
    tpu.vector_store %arg10[%swap3A_325, %swap3A_326, %swap3A_327], %swap3A_330 {strides = array<i32>} : memref<12x512x64xbf16, #tpu.memory_space<vmem>>, vector<1x512x64xbf16>,
    %slice3A_331 = vector.extract_strided_slice %convert_element_type3A_97 {offsets = [0, 512], sizes = [512, 64], strides = [1, 1]} : vector<512x768xbf16> to vector<512x64xbf16>
    %swap3A_332 = arith.constant 8 : index
    %swap3A_333 = arith.constant 0 : index
    %swap3A_334 = arith.constant 0 : index
    %swap3A_335 = vector.load %arg8[%swap3A_332, %swap3A_333, %swap3A_334] : memref<12x512x64xbf16, #tpu.memory_space<vmem>>, vector<1x512x64xbf16>
    %swap3A_336 = vector.shape_cast %swap3A_335 : vector<1x512x64xbf16> to vector<512x64xbf16>
    %swap3A_337 = vector.shape_cast %slice3A_331 : vector<512x64xbf16> to vector<1x512x64xbf16>
    tpu.vector_store %arg8[%swap3A_332, %swap3A_333, %swap3A_334], %swap3A_337 {strides = array<i32>} : memref<12x512x64xbf16, #tpu.memory_space<vmem>>, vector<1x512x64xbf16>,
    %slice3A_338 = vector.extract_strided_slice %convert_element_type3A_162 {offsets = [0, 512], sizes = [512, 64], strides = [1, 1]} : vector<512x768xbf16> to vector<512x64xbf16>
    %swap3A_339 = arith.constant 8 : index
    %swap3A_340 = arith.constant 0 : index
    %swap3A_341 = arith.constant 0 : index
    %swap3A_342 = vector.load %arg9[%swap3A_339, %swap3A_340, %swap3A_341] : memref<12x512x64xbf16, #tpu.memory_space<vmem>>, vector<1x512x64xbf16>
    %swap3A_343 = vector.shape_cast %swap3A_342 : vector<1x512x64xbf16> to vector<512x64xbf16>
    %swap3A_344 = vector.shape_cast %slice3A_338 : vector<512x64xbf16> to vector<1x512x64xbf16>
    tpu.vector_store %arg9[%swap3A_339, %swap3A_340, %swap3A_341], %swap3A_344 {strides = array<i32>} : memref<12x512x64xbf16, #tpu.memory_space<vmem>>, vector<1x512x64xbf16>,
    %slice3A_345 = vector.extract_strided_slice %convert_element_type3A_163 {offsets = [0, 512], sizes = [512, 64], strides = [1, 1]} : vector<512x768xbf16> to vector<512x64xbf16>
    %swap3A_346 = arith.constant 8 : index
    %swap3A_347 = arith.constant 0 : index
    %swap3A_348 = arith.constant 0 : index
    %swap3A_349 = vector.load %arg10[%swap3A_346, %swap3A_347, %swap3A_348] : memref<12x512x64xbf16, #tpu.memory_space<vmem>>, vector<1x512x64xbf16>
    %swap3A_350 = vector.shape_cast %swap3A_349 : vector<1x512x64xbf16> to vector<512x64xbf16>
    %swap3A_351 = vector.shape_cast %slice3A_345 : vector<512x64xbf16> to vector<1x512x64xbf16>
    tpu.vector_store %arg10[%swap3A_346, %swap3A_347, %swap3A_348], %swap3A_351 {strides = array<i32>} : memref<12x512x64xbf16, #tpu.memory_space<vmem>>, vector<1x512x64xbf16>,
    %slice3A_352 = vector.extract_strided_slice %convert_element_type3A_97 {offsets = [0, 576], sizes = [512, 64], strides = [1, 1]} : vector<512x768xbf16> to vector<512x64xbf16>
    %swap3A_353 = arith.constant 9 : index
    %swap3A_354 = arith.constant 0 : index
    %swap3A_355 = arith.constant 0 : index
    %swap3A_356 = vector.load %arg8[%swap3A_353, %swap3A_354, %swap3A_355] : memref<12x512x64xbf16, #tpu.memory_space<vmem>>, vector<1x512x64xbf16>
    %swap3A_357 = vector.shape_cast %swap3A_356 : vector<1x512x64xbf16> to vector<512x64xbf16>
    %swap3A_358 = vector.shape_cast %slice3A_352 : vector<512x64xbf16> to vector<1x512x64xbf16>
    tpu.vector_store %arg8[%swap3A_353, %swap3A_354, %swap3A_355], %swap3A_358 {strides = array<i32>} : memref<12x512x64xbf16, #tpu.memory_space<vmem>>, vector<1x512x64xbf16>,
    %slice3A_359 = vector.extract_strided_slice %convert_element_type3A_162 {offsets = [0, 576], sizes = [512, 64], strides = [1, 1]} : vector<512x768xbf16> to vector<512x64xbf16>
    %swap3A_360 = arith.constant 9 : index
    %swap3A_361 = arith.constant 0 : index
    %swap3A_362 = arith.constant 0 : index
    %swap3A_363 = vector.load %arg9[%swap3A_360, %swap3A_361, %swap3A_362] : memref<12x512x64xbf16, #tpu.memory_space<vmem>>, vector<1x512x64xbf16>
    %swap3A_364 = vector.shape_cast %swap3A_363 : vector<1x512x64xbf16> to vector<512x64xbf16>
    %swap3A_365 = vector.shape_cast %slice3A_359 : vector<512x64xbf16> to vector<1x512x64xbf16>
    tpu.vector_store %arg9[%swap3A_360, %swap3A_361, %swap3A_362], %swap3A_365 {strides = array<i32>} : memref<12x512x64xbf16, #tpu.memory_space<vmem>>, vector<1x512x64xbf16>,
    %slice3A_366 = vector.extract_strided_slice %convert_element_type3A_163 {offsets = [0, 576], sizes = [512, 64], strides = [1, 1]} : vector<512x768xbf16> to vector<512x64xbf16>
    %swap3A_367 = arith.constant 9 : index
    %swap3A_368 = arith.constant 0 : index
    %swap3A_369 = arith.constant 0 : index
    %swap3A_370 = vector.load %arg10[%swap3A_367, %swap3A_368, %swap3A_369] : memref<12x512x64xbf16, #tpu.memory_space<vmem>>, vector<1x512x64xbf16>
    %swap3A_371 = vector.shape_cast %swap3A_370 : vector<1x512x64xbf16> to vector<512x64xbf16>
    %swap3A_372 = vector.shape_cast %slice3A_366 : vector<512x64xbf16> to vector<1x512x64xbf16>
    tpu.vector_store %arg10[%swap3A_367, %swap3A_368, %swap3A_369], %swap3A_372 {strides = array<i32>} : memref<12x512x64xbf16, #tpu.memory_space<vmem>>, vector<1x512x64xbf16>,
    %slice3A_373 = vector.extract_strided_slice %convert_element_type3A_97 {offsets = [0, 640], sizes = [512, 64], strides = [1, 1]} : vector<512x768xbf16> to vector<512x64xbf16>
    %swap3A_374 = arith.constant 10 : index
    %swap3A_375 = arith.constant 0 : index
    %swap3A_376 = arith.constant 0 : index
    %swap3A_377 = vector.load %arg8[%swap3A_374, %swap3A_375, %swap3A_376] : memref<12x512x64xbf16, #tpu.memory_space<vmem>>, vector<1x512x64xbf16>
    %swap3A_378 = vector.shape_cast %swap3A_377 : vector<1x512x64xbf16> to vector<512x64xbf16>
    %swap3A_379 = vector.shape_cast %slice3A_373 : vector<512x64xbf16> to vector<1x512x64xbf16>
    tpu.vector_store %arg8[%swap3A_374, %swap3A_375, %swap3A_376], %swap3A_379 {strides = array<i32>} : memref<12x512x64xbf16, #tpu.memory_space<vmem>>, vector<1x512x64xbf16>,
    %slice3A_380 = vector.extract_strided_slice %convert_element_type3A_162 {offsets = [0, 640], sizes = [512, 64], strides = [1, 1]} : vector<512x768xbf16> to vector<512x64xbf16>
    %swap3A_381 = arith.constant 10 : index
    %swap3A_382 = arith.constant 0 : index
    %swap3A_383 = arith.constant 0 : index
    %swap3A_384 = vector.load %arg9[%swap3A_381, %swap3A_382, %swap3A_383] : memref<12x512x64xbf16, #tpu.memory_space<vmem>>, vector<1x512x64xbf16>
    %swap3A_385 = vector.shape_cast %swap3A_384 : vector<1x512x64xbf16> to vector<512x64xbf16>
    %swap3A_386 = vector.shape_cast %slice3A_380 : vector<512x64xbf16> to vector<1x512x64xbf16>
    tpu.vector_store %arg9[%swap3A_381, %swap3A_382, %swap3A_383], %swap3A_386 {strides = array<i32>} : memref<12x512x64xbf16, #tpu.memory_space<vmem>>, vector<1x512x64xbf16>,
    %slice3A_387 = vector.extract_strided_slice %convert_element_type3A_163 {offsets = [0, 640], sizes = [512, 64], strides = [1, 1]} : vector<512x768xbf16> to vector<512x64xbf16>
    %swap3A_388 = arith.constant 10 : index
    %swap3A_389 = arith.constant 0 : index
    %swap3A_390 = arith.constant 0 : index
    %swap3A_391 = vector.load %arg10[%swap3A_388, %swap3A_389, %swap3A_390] : memref<12x512x64xbf16, #tpu.memory_space<vmem>>, vector<1x512x64xbf16>
    %swap3A_392 = vector.shape_cast %swap3A_391 : vector<1x512x64xbf16> to vector<512x64xbf16>
    %swap3A_393 = vector.shape_cast %slice3A_387 : vector<512x64xbf16> to vector<1x512x64xbf16>
    tpu.vector_store %arg10[%swap3A_388, %swap3A_389, %swap3A_390], %swap3A_393 {strides = array<i32>} : memref<12x512x64xbf16, #tpu.memory_space<vmem>>, vector<1x512x64xbf16>,
    %slice3A_394 = vector.extract_strided_slice %convert_element_type3A_97 {offsets = [0, 704], sizes = [512, 64], strides = [1, 1]} : vector<512x768xbf16> to vector<512x64xbf16>
    %swap3A_395 = arith.constant 11 : index
    %swap3A_396 = arith.constant 0 : index
    %swap3A_397 = arith.constant 0 : index
    %swap3A_398 = vector.load %arg8[%swap3A_395, %swap3A_396, %swap3A_397] : memref<12x512x64xbf16, #tpu.memory_space<vmem>>, vector<1x512x64xbf16>
    %swap3A_399 = vector.shape_cast %swap3A_398 : vector<1x512x64xbf16> to vector<512x64xbf16>
    %swap3A_400 = vector.shape_cast %slice3A_394 : vector<512x64xbf16> to vector<1x512x64xbf16>
    tpu.vector_store %arg8[%swap3A_395, %swap3A_396, %swap3A_397], %swap3A_400 {strides = array<i32>} : memref<12x512x64xbf16, #tpu.memory_space<vmem>>, vector<1x512x64xbf16>,
    %slice3A_401 = vector.extract_strided_slice %convert_element_type3A_162 {offsets = [0, 704], sizes = [512, 64], strides = [1, 1]} : vector<512x768xbf16> to vector<512x64xbf16>
    %swap3A_402 = arith.constant 11 : index
    %swap3A_403 = arith.constant 0 : index
    %swap3A_404 = arith.constant 0 : index
    %swap3A_405 = vector.load %arg9[%swap3A_402, %swap3A_403, %swap3A_404] : memref<12x512x64xbf16, #tpu.memory_space<vmem>>, vector<1x512x64xbf16>
    %swap3A_406 = vector.shape_cast %swap3A_405 : vector<1x512x64xbf16> to vector<512x64xbf16>
    %swap3A_407 = vector.shape_cast %slice3A_401 : vector<512x64xbf16> to vector<1x512x64xbf16>
    tpu.vector_store %arg9[%swap3A_402, %swap3A_403, %swap3A_404], %swap3A_407 {strides = array<i32>} : memref<12x512x64xbf16, #tpu.memory_space<vmem>>, vector<1x512x64xbf16>,
    %slice3A_408 = vector.extract_strided_slice %convert_element_type3A_163 {offsets = [0, 704], sizes = [512, 64], strides = [1, 1]} : vector<512x768xbf16> to vector<512x64xbf16>
    %swap3A_409 = arith.constant 11 : index
    %swap3A_410 = arith.constant 0 : index
    %swap3A_411 = arith.constant 0 : index
    %swap3A_412 = vector.load %arg10[%swap3A_409, %swap3A_410, %swap3A_411] : memref<12x512x64xbf16, #tpu.memory_space<vmem>>, vector<1x512x64xbf16>
    %swap3A_413 = vector.shape_cast %swap3A_412 : vector<1x512x64xbf16> to vector<512x64xbf16>
    %swap3A_414 = vector.shape_cast %slice3A_408 : vector<512x64xbf16> to vector<1x512x64xbf16>
    tpu.vector_store %arg10[%swap3A_409, %swap3A_410, %swap3A_411], %swap3A_414 {strides = array<i32>} : memref<12x512x64xbf16, #tpu.memory_space<vmem>>, vector<1x512x64xbf16>,
    return
  }
  func.func @transform_0(%arg0: i32) -> (i32, i32) {
    %c0_i32 = arith.constant 0 : i32
    %c0_i32_0 = arith.constant 0 : i32
    return %arg0, %c0_i32 : i32, i32
  }
  func.func @transform_1(%arg0: i32) -> (i32, i32) {
    %c0_i32 = arith.constant 0 : i32
    %c0_i32_0 = arith.constant 0 : i32
    return %arg0, %c0_i32 : i32, i32
  }
  func.func @transform_2(%arg0: i32) -> (i32, i32) {
    %c0_i32 = arith.constant 0 : i32
    %c0_i32_0 = arith.constant 0 : i32
    return %arg0, %c0_i32 : i32, i32
  }
  func.func @transform_3(%arg0: i32) -> (i32, i32) {
    %c0_i32 = arith.constant 0 : i32
    %c0_i32_0 = arith.constant 0 : i32
    %c0_i32_1 = arith.constant 0 : i32
    return %c0_i32, %c0_i32_0 : i32, i32
  }
  func.func @transform_4(%arg0: i32) -> (i32, i32) {
    %c0_i32 = arith.constant 0 : i32
    %c0_i32_0 = arith.constant 0 : i32
    %c0_i32_1 = arith.constant 0 : i32
    return %c0_i32, %c0_i32_0 : i32, i32
  }
  func.func @transform_5(%arg0: i32) -> (i32, i32) {
    %c0_i32 = arith.constant 0 : i32
    %c0_i32_0 = arith.constant 0 : i32
    %c0_i32_1 = arith.constant 0 : i32
    return %c0_i32, %c0_i32_0 : i32, i32
  }
  func.func @transform_6(%arg0: i32) -> (i32, i32) {
    %c0_i32 = arith.constant 0 : i32
    %c0_i32_0 = arith.constant 0 : i32
    %c0_i32_1 = arith.constant 0 : i32
    return %c0_i32, %c0_i32_0 : i32, i32
  }
  func.func @transform_7(%arg0: i32) -> (i32, i32, i32) {
    %c0_i32 = arith.constant 0 : i32
    %c0_i32_0 = arith.constant 0 : i32
    %c0_i32_1 = arith.constant 0 : i32
    return %c0_i32, %arg0, %c0_i32_0 : i32, i32, i32
  }
  func.func @transform_8(%arg0: i32) -> (i32, i32, i32) {
    %c0_i32 = arith.constant 0 : i32
    %c0_i32_0 = arith.constant 0 : i32
    %c0_i32_1 = arith.constant 0 : i32
    return %c0_i32, %arg0, %c0_i32_0 : i32, i32, i32
  }
  func.func @transform_9(%arg0: i32) -> (i32, i32, i32) {
    %c0_i32 = arith.constant 0 : i32
    %c0_i32_0 = arith.constant 0 : i32
    %c0_i32_1 = arith.constant 0 : i32
    return %c0_i32, %arg0, %c0_i32_0 : i32, i32, i32
  }
}

module attributes {stable_mosaic.version = 14 : i64} {
  func.func @_attn_body(%arg0: i32, %arg1: i32, %arg2: memref<1x512x64xbf16, #tpu.memory_space<vmem>>, %arg3: memref<1x2048x64xbf16, #tpu.memory_space<vmem>>, %arg4: memref<1x2048x64xbf16, #tpu.memory_space<vmem>>, %arg5: memref<1x512x64xbf16, #tpu.memory_space<vmem>>) attributes {dimension_semantics = [#tpu.dimension_semantics<arbitrary>, #tpu.dimension_semantics<arbitrary>], iteration_bounds = array<i64: 12, 4>, scalar_prefetch = 0 : i64, scratch_operands = 0 : i64, tpu.core_type = #tpu.core_type<tc>, window_params = [{transform_indices = @transform_0, window_bounds = array<i64: 1, 512, 64>}, {transform_indices = @transform_1, window_bounds = array<i64: 1, 2048, 64>}, {transform_indices = @transform_2, window_bounds = array<i64: 1, 2048, 64>}, {transform_indices = @transform_3, window_bounds = array<i64: 1, 512, 64>}]} {
    %get3A = arith.constant 0 : index
    %get3A_0 = arith.constant 0 : index
    %get3A_1 = arith.constant 0 : index
    %get3A_2 = vector.load %arg2[%get3A, %get3A_0, %get3A_1] : memref<1x512x64xbf16, #tpu.memory_space<vmem>>, vector<1x512x64xbf16>
    %get3A_3 = vector.shape_cast %get3A_2 : vector<1x512x64xbf16> to vector<512x64xbf16>
    %get3A_4 = arith.constant 0 : index
    %get3A_5 = arith.constant 0 : index
    %get3A_6 = arith.constant 0 : index
    %get3A_7 = vector.load %arg3[%get3A_4, %get3A_5, %get3A_6] : memref<1x2048x64xbf16, #tpu.memory_space<vmem>>, vector<1x2048x64xbf16>
    %get3A_8 = vector.shape_cast %get3A_7 : vector<1x2048x64xbf16> to vector<2048x64xbf16>
    %get3A_9 = arith.constant 0 : index
    %get3A_10 = arith.constant 0 : index
    %get3A_11 = arith.constant 0 : index
    %get3A_12 = vector.load %arg4[%get3A_9, %get3A_10, %get3A_11] : memref<1x2048x64xbf16, #tpu.memory_space<vmem>>, vector<1x2048x64xbf16>
    %get3A_13 = vector.shape_cast %get3A_12 : vector<1x2048x64xbf16> to vector<2048x64xbf16>
    %dot_general3A = arith.constant dense<0.000000e+00> : vector<512x2048xf32>
    %dot_general3A_14 = tpu.matmul %get3A_3, %get3A_8, %dot_general3A {dimension_numbers = #tpu.dot_dimension_numbers<[1], [1], [0], [0], [0, 0, 1, 0], [], []>, transpose_lhs_hint = false} : vector<512x64xbf16>, vector<2048x64xbf16>, vector<512x2048xf32> -> vector<512x2048xf32>
    %reduce_max3A = arith.constant dense<0xFF800000> : vector<512xf32>
    %reduce_max3A_15 = vector.multi_reduction <maximumf>, %dot_general3A_14, %reduce_max3A [1] : vector<512x2048xf32> to vector<512xf32>
    %broadcast_in_dim3A = vector.shape_cast %reduce_max3A_15 : vector<512xf32> to vector<512x1xf32>
    %sub3A = vector.broadcast %broadcast_in_dim3A : vector<512x1xf32> to vector<512x2048xf32>
    %sub3A_16 = arith.subf %dot_general3A_14, %sub3A : vector<512x2048xf32>
    %exp3A = math.exp %sub3A_16 : vector<512x2048xf32>
    %reduce_sum3A = arith.constant dense<0.000000e+00> : vector<512xf32>
    %reduce_sum3A_17 = vector.multi_reduction <add>, %exp3A, %reduce_sum3A [1] : vector<512x2048xf32> to vector<512xf32>
    %broadcast_in_dim3A_18 = vector.shape_cast %reduce_sum3A_17 : vector<512xf32> to vector<512x1xf32>
    %convert_element_type3A = arith.truncf %exp3A : vector<512x2048xf32> to vector<512x2048xbf16>
    %dot_general3A_19 = arith.constant dense<0.000000e+00> : vector<512x64xf32>
    %dot_general3A_20 = tpu.matmul %convert_element_type3A, %get3A_13, %dot_general3A_19 {dimension_numbers = #tpu.dot_dimension_numbers<[1], [0], [0], [1], [0, 0, 1, 1], [], []>, transpose_lhs_hint = false} : vector<512x2048xbf16>, vector<2048x64xbf16>, vector<512x64xf32> -> vector<512x64xf32>
    %div3A = vector.broadcast %broadcast_in_dim3A_18 : vector<512x1xf32> to vector<512x64xf32>
    %div3A_21 = arith.divf %dot_general3A_20, %div3A : vector<512x64xf32>
    %convert_element_type3A_22 = arith.truncf %div3A_21 : vector<512x64xf32> to vector<512x64xbf16>
    %swap3A = arith.constant 0 : index
    %swap3A_23 = arith.constant 0 : index
    %swap3A_24 = arith.constant 0 : index
    %swap3A_25 = vector.load %arg5[%swap3A, %swap3A_23, %swap3A_24] : memref<1x512x64xbf16, #tpu.memory_space<vmem>>, vector<1x512x64xbf16>
    %swap3A_26 = vector.shape_cast %swap3A_25 : vector<1x512x64xbf16> to vector<512x64xbf16>
    %swap3A_27 = vector.shape_cast %convert_element_type3A_22 : vector<512x64xbf16> to vector<1x512x64xbf16>
    tpu.vector_store %arg5[%swap3A, %swap3A_23, %swap3A_24], %swap3A_27 {strides = array<i32>} : memref<1x512x64xbf16, #tpu.memory_space<vmem>>, vector<1x512x64xbf16>,
    return
  }
  func.func @transform_0(%arg0: i32, %arg1: i32) -> (i32, i32, i32) {
    %c0_i32 = arith.constant 0 : i32
    %c0_i32_0 = arith.constant 0 : i32
    return %arg0, %arg1, %c0_i32 : i32, i32, i32
  }
  func.func @transform_1(%arg0: i32, %arg1: i32) -> (i32, i32, i32) {
    %c0_i32 = arith.constant 0 : i32
    %c0_i32_0 = arith.constant 0 : i32
    %c0_i32_1 = arith.constant 0 : i32
    return %arg0, %c0_i32, %c0_i32_0 : i32, i32, i32
  }
  func.func @transform_2(%arg0: i32, %arg1: i32) -> (i32, i32, i32) {
    %c0_i32 = arith.constant 0 : i32
    %c0_i32_0 = arith.constant 0 : i32
    %c0_i32_1 = arith.constant 0 : i32
    return %arg0, %c0_i32, %c0_i32_0 : i32, i32, i32
  }
  func.func @transform_3(%arg0: i32, %arg1: i32) -> (i32, i32, i32) {
    %c0_i32 = arith.constant 0 : i32
    %c0_i32_0 = arith.constant 0 : i32
    return %arg0, %arg1, %c0_i32 : i32, i32, i32
  }
}

module attributes {stable_mosaic.version = 14 : i64} {
  func.func @_post_body(%arg0: i32, %arg1: memref<12x512x64xbf16, #tpu.memory_space<vmem>>, %arg2: memref<512x768xf32, #tpu.memory_space<vmem>>, %arg3: memref<1x768xf32, #tpu.memory_space<vmem>>, %arg4: memref<768x768xbf16, #tpu.memory_space<vmem>>, %arg5: memref<768x64xf32, #tpu.memory_space<vmem>>, %arg6: memref<512x768xf32, #tpu.memory_space<vmem>>, %arg7: memref<512x768xf32, #tpu.memory_space<vmem>>, %arg8: memref<512x1xi32, #tpu.memory_space<vmem>>) attributes {dimension_semantics = [#tpu.dimension_semantics<arbitrary>], iteration_bounds = array<i64: 4>, scalar_prefetch = 0 : i64, scratch_operands = 0 : i64, tpu.core_type = #tpu.core_type<tc>, window_params = [{transform_indices = @transform_0, window_bounds = array<i64: 12, 512, 64>}, {transform_indices = @transform_1, window_bounds = array<i64: 512, 768>}, {pipeline_mode = #tpu.pipeline_mode<synchronous>, transform_indices = @transform_2, window_bounds = array<i64: 1, 768>}, {pipeline_mode = #tpu.pipeline_mode<synchronous>, transform_indices = @transform_3, window_bounds = array<i64: 768, 768>}, {pipeline_mode = #tpu.pipeline_mode<synchronous>, transform_indices = @transform_4, window_bounds = array<i64: 768, 64>}, {transform_indices = @transform_5, window_bounds = array<i64: 512, 768>}, {transform_indices = @transform_6, window_bounds = array<i64: 512, 768>}, {transform_indices = @transform_7, window_bounds = array<i64: 512, 1>}]} {
    %get3A = arith.constant 0 : index
    %get3A_0 = arith.constant 0 : index
    %get3A_1 = arith.constant 0 : index
    %get3A_2 = vector.load %arg1[%get3A, %get3A_0, %get3A_1] : memref<12x512x64xbf16, #tpu.memory_space<vmem>>, vector<1x512x64xbf16>
    %get3A_3 = vector.shape_cast %get3A_2 : vector<1x512x64xbf16> to vector<512x64xbf16>
    %get3A_4 = arith.constant 1 : index
    %get3A_5 = arith.constant 0 : index
    %get3A_6 = arith.constant 0 : index
    %get3A_7 = vector.load %arg1[%get3A_4, %get3A_5, %get3A_6] : memref<12x512x64xbf16, #tpu.memory_space<vmem>>, vector<1x512x64xbf16>
    %get3A_8 = vector.shape_cast %get3A_7 : vector<1x512x64xbf16> to vector<512x64xbf16>
    %get3A_9 = arith.constant 2 : index
    %get3A_10 = arith.constant 0 : index
    %get3A_11 = arith.constant 0 : index
    %get3A_12 = vector.load %arg1[%get3A_9, %get3A_10, %get3A_11] : memref<12x512x64xbf16, #tpu.memory_space<vmem>>, vector<1x512x64xbf16>
    %get3A_13 = vector.shape_cast %get3A_12 : vector<1x512x64xbf16> to vector<512x64xbf16>
    %get3A_14 = arith.constant 3 : index
    %get3A_15 = arith.constant 0 : index
    %get3A_16 = arith.constant 0 : index
    %get3A_17 = vector.load %arg1[%get3A_14, %get3A_15, %get3A_16] : memref<12x512x64xbf16, #tpu.memory_space<vmem>>, vector<1x512x64xbf16>
    %get3A_18 = vector.shape_cast %get3A_17 : vector<1x512x64xbf16> to vector<512x64xbf16>
    %get3A_19 = arith.constant 4 : index
    %get3A_20 = arith.constant 0 : index
    %get3A_21 = arith.constant 0 : index
    %get3A_22 = vector.load %arg1[%get3A_19, %get3A_20, %get3A_21] : memref<12x512x64xbf16, #tpu.memory_space<vmem>>, vector<1x512x64xbf16>
    %get3A_23 = vector.shape_cast %get3A_22 : vector<1x512x64xbf16> to vector<512x64xbf16>
    %get3A_24 = arith.constant 5 : index
    %get3A_25 = arith.constant 0 : index
    %get3A_26 = arith.constant 0 : index
    %get3A_27 = vector.load %arg1[%get3A_24, %get3A_25, %get3A_26] : memref<12x512x64xbf16, #tpu.memory_space<vmem>>, vector<1x512x64xbf16>
    %get3A_28 = vector.shape_cast %get3A_27 : vector<1x512x64xbf16> to vector<512x64xbf16>
    %get3A_29 = arith.constant 6 : index
    %get3A_30 = arith.constant 0 : index
    %get3A_31 = arith.constant 0 : index
    %get3A_32 = vector.load %arg1[%get3A_29, %get3A_30, %get3A_31] : memref<12x512x64xbf16, #tpu.memory_space<vmem>>, vector<1x512x64xbf16>
    %get3A_33 = vector.shape_cast %get3A_32 : vector<1x512x64xbf16> to vector<512x64xbf16>
    %get3A_34 = arith.constant 7 : index
    %get3A_35 = arith.constant 0 : index
    %get3A_36 = arith.constant 0 : index
    %get3A_37 = vector.load %arg1[%get3A_34, %get3A_35, %get3A_36] : memref<12x512x64xbf16, #tpu.memory_space<vmem>>, vector<1x512x64xbf16>
    %get3A_38 = vector.shape_cast %get3A_37 : vector<1x512x64xbf16> to vector<512x64xbf16>
    %get3A_39 = arith.constant 8 : index
    %get3A_40 = arith.constant 0 : index
    %get3A_41 = arith.constant 0 : index
    %get3A_42 = vector.load %arg1[%get3A_39, %get3A_40, %get3A_41] : memref<12x512x64xbf16, #tpu.memory_space<vmem>>, vector<1x512x64xbf16>
    %get3A_43 = vector.shape_cast %get3A_42 : vector<1x512x64xbf16> to vector<512x64xbf16>
    %get3A_44 = arith.constant 9 : index
    %get3A_45 = arith.constant 0 : index
    %get3A_46 = arith.constant 0 : index
    %get3A_47 = vector.load %arg1[%get3A_44, %get3A_45, %get3A_46] : memref<12x512x64xbf16, #tpu.memory_space<vmem>>, vector<1x512x64xbf16>
    %get3A_48 = vector.shape_cast %get3A_47 : vector<1x512x64xbf16> to vector<512x64xbf16>
    %get3A_49 = arith.constant 10 : index
    %get3A_50 = arith.constant 0 : index
    %get3A_51 = arith.constant 0 : index
    %get3A_52 = vector.load %arg1[%get3A_49, %get3A_50, %get3A_51] : memref<12x512x64xbf16, #tpu.memory_space<vmem>>, vector<1x512x64xbf16>
    %get3A_53 = vector.shape_cast %get3A_52 : vector<1x512x64xbf16> to vector<512x64xbf16>
    %get3A_54 = arith.constant 11 : index
    %get3A_55 = arith.constant 0 : index
    %get3A_56 = arith.constant 0 : index
    %get3A_57 = vector.load %arg1[%get3A_54, %get3A_55, %get3A_56] : memref<12x512x64xbf16, #tpu.memory_space<vmem>>, vector<1x512x64xbf16>
    %get3A_58 = vector.shape_cast %get3A_57 : vector<1x512x64xbf16> to vector<512x64xbf16>
    %concatenate3A = tpu.concatenate %get3A_3, %get3A_8, %get3A_13, %get3A_18, %get3A_23, %get3A_28, %get3A_33, %get3A_38, %get3A_43, %get3A_48, %get3A_53, %get3A_58 in 1 : vector<512x64xbf16>, vector<512x64xbf16>, vector<512x64xbf16>, vector<512x64xbf16>, vector<512x64xbf16>, vector<512x64xbf16>, vector<512x64xbf16>, vector<512x64xbf16>, vector<512x64xbf16>, vector<512x64xbf16>, vector<512x64xbf16>, vector<512x64xbf16> -> vector<512x768xbf16>
    %get3A_59 = arith.constant 0 : index
    %get3A_60 = arith.constant 0 : index
    %get3A_61 = vector.load %arg2[%get3A_59, %get3A_60] : memref<512x768xf32, #tpu.memory_space<vmem>>, vector<512x768xf32>
    %get3A_62 = arith.constant 0 : index
    %get3A_63 = arith.constant 0 : index
    %get3A_64 = vector.load %arg4[%get3A_62, %get3A_63] : memref<768x768xbf16, #tpu.memory_space<vmem>>, vector<768x768xbf16>
    %dot_general3A = arith.constant dense<0.000000e+00> : vector<512x768xf32>
    %dot_general3A_65 = tpu.matmul %concatenate3A, %get3A_64, %dot_general3A {dimension_numbers = #tpu.dot_dimension_numbers<[1], [0], [0], [1], [0, 0, 1, 1], [], []>, transpose_lhs_hint = false} : vector<512x768xbf16>, vector<768x768xbf16>, vector<512x768xf32> -> vector<512x768xf32>
    %add3A = arith.addf %get3A_61, %dot_general3A_65 : vector<512x768xf32>
    %swap3A = arith.constant 0 : index
    %swap3A_66 = arith.constant 0 : index
    %swap3A_67 = vector.load %arg6[%swap3A, %swap3A_66] : memref<512x768xf32, #tpu.memory_space<vmem>>, vector<512x768xf32>
    tpu.vector_store %arg6[%swap3A, %swap3A_66], %add3A {strides = array<i32>} : memref<512x768xf32, #tpu.memory_space<vmem>>, vector<512x768xf32>,
    %get3A_68 = arith.constant 0 : index
    %get3A_69 = arith.constant 0 : index
    %get3A_70 = vector.load %arg3[%get3A_68, %get3A_69] : memref<1x768xf32, #tpu.memory_space<vmem>>, vector<1x768xf32>
    %mul3A = arith.mulf %add3A, %add3A : vector<512x768xf32>
    %reduce_sum3A = arith.constant dense<0.000000e+00> : vector<512xf32>
    %reduce_sum3A_71 = vector.multi_reduction <add>, %mul3A, %reduce_sum3A [1] : vector<512x768xf32> to vector<512xf32>
    %broadcast_in_dim3A = vector.shape_cast %reduce_sum3A_71 : vector<512xf32> to vector<512x1xf32>
    %div3A = arith.constant 7.680000e+02 : f32
    %div3A_72 = vector.broadcast %div3A : f32 to vector<512x1xf32>
    %div3A_73 = arith.divf %broadcast_in_dim3A, %div3A_72 : vector<512x1xf32>
    %add3A_74 = arith.constant 9.99999974E-6 : f32
    %add3A_75 = vector.broadcast %add3A_74 : f32 to vector<512x1xf32>
    %add3A_76 = arith.addf %div3A_73, %add3A_75 : vector<512x1xf32>
    %rsqrt3A = math.rsqrt %add3A_76 : vector<512x1xf32>
    %mul3A_77 = vector.broadcast %rsqrt3A : vector<512x1xf32> to vector<512x768xf32>
    %mul3A_78 = arith.mulf %add3A, %mul3A_77 : vector<512x768xf32>
    %mul3A_79 = vector.broadcast %get3A_70 : vector<1x768xf32> to vector<512x768xf32>
    %mul3A_80 = arith.mulf %mul3A_78, %mul3A_79 : vector<512x768xf32>
    %swap3A_81 = arith.constant 0 : index
    %swap3A_82 = arith.constant 0 : index
    %swap3A_83 = vector.load %arg7[%swap3A_81, %swap3A_82] : memref<512x768xf32, #tpu.memory_space<vmem>>, vector<512x768xf32>
    tpu.vector_store %arg7[%swap3A_81, %swap3A_82], %mul3A_80 {strides = array<i32>} : memref<512x768xf32, #tpu.memory_space<vmem>>, vector<512x768xf32>,
    %get3A_84 = arith.constant 0 : index
    %get3A_85 = arith.constant 0 : index
    %get3A_86 = vector.load %arg5[%get3A_84, %get3A_85] : memref<768x64xf32, #tpu.memory_space<vmem>>, vector<768x64xf32>
    %dot_general3A_87 = arith.constant dense<0.000000e+00> : vector<512x64xf32>
    %dot_general3A_88 = tpu.matmul %mul3A_80, %get3A_86, %dot_general3A_87 {dimension_numbers = #tpu.dot_dimension_numbers<[1], [0], [0], [1], [0, 0, 1, 1], [], []>, transpose_lhs_hint = false} : vector<512x768xf32>, vector<768x64xf32>, vector<512x64xf32> -> vector<512x64xf32>
    %argmax3A = tpu.reduce_index %dot_general3A_88 {axis = 1 : i32, kind = #tpu.reduction_kind<arg_max>} : vector<512x64xf32> -> vector<512xi32>
    %broadcast_in_dim3A_89 = vector.shape_cast %argmax3A : vector<512xi32> to vector<512x1xi32>
    %swap3A_90 = arith.constant 0 : index
    %swap3A_91 = arith.constant 0 : index
    %swap3A_92 = vector.load %arg8[%swap3A_90, %swap3A_91] : memref<512x1xi32, #tpu.memory_space<vmem>>, vector<512x1xi32>
    tpu.vector_store %arg8[%swap3A_90, %swap3A_91], %broadcast_in_dim3A_89 {strides = array<i32>} : memref<512x1xi32, #tpu.memory_space<vmem>>, vector<512x1xi32>,
    return
  }
  func.func @transform_0(%arg0: i32) -> (i32, i32, i32) {
    %c0_i32 = arith.constant 0 : i32
    %c0_i32_0 = arith.constant 0 : i32
    %c0_i32_1 = arith.constant 0 : i32
    return %c0_i32, %arg0, %c0_i32_0 : i32, i32, i32
  }
  func.func @transform_1(%arg0: i32) -> (i32, i32) {
    %c0_i32 = arith.constant 0 : i32
    %c0_i32_0 = arith.constant 0 : i32
    return %arg0, %c0_i32 : i32, i32
  }
  func.func @transform_2(%arg0: i32) -> (i32, i32) {
    %c0_i32 = arith.constant 0 : i32
    %c0_i32_0 = arith.constant 0 : i32
    %c0_i32_1 = arith.constant 0 : i32
    return %c0_i32, %c0_i32_0 : i32, i32
  }
  func.func @transform_3(%arg0: i32) -> (i32, i32) {
    %c0_i32 = arith.constant 0 : i32
    %c0_i32_0 = arith.constant 0 : i32
    %c0_i32_1 = arith.constant 0 : i32
    return %c0_i32, %c0_i32_0 : i32, i32
  }
  func.func @transform_4(%arg0: i32) -> (i32, i32) {
    %c0_i32 = arith.constant 0 : i32
    %c0_i32_0 = arith.constant 0 : i32
    %c0_i32_1 = arith.constant 0 : i32
    return %c0_i32, %c0_i32_0 : i32, i32
  }
  func.func @transform_5(%arg0: i32) -> (i32, i32) {
    %c0_i32 = arith.constant 0 : i32
    %c0_i32_0 = arith.constant 0 : i32
    return %arg0, %c0_i32 : i32, i32
  }
  func.func @transform_6(%arg0: i32) -> (i32, i32) {
    %c0_i32 = arith.constant 0 : i32
    %c0_i32_0 = arith.constant 0 : i32
    return %arg0, %c0_i32 : i32, i32
  }
  func.func @transform_7(%arg0: i32) -> (i32, i32) {
    %c0_i32 = arith.constant 0 : i32
    %c0_i32_0 = arith.constant 0 : i32
    return %arg0, %c0_i32 : i32, i32
  }
}

module attributes {stable_mosaic.version = 14 : i64} {
  func.func @_ffn_body(%arg0: i32, %arg1: memref<128xi32, #tpu.memory_space<smem>>, %arg2: memref<32x768xf32, #tpu.memory_space<vmem>>, %arg3: memref<1x768x384xf32, #tpu.memory_space<vmem>>, %arg4: memref<1x768x384xf32, #tpu.memory_space<vmem>>, %arg5: memref<1x384x768xf32, #tpu.memory_space<vmem>>, %arg6: memref<32x768xbf16, #tpu.memory_space<vmem>>) attributes {dimension_semantics = [#tpu.dimension_semantics<arbitrary>], iteration_bounds = array<i64: 128>, scalar_prefetch = 1 : i64, scratch_operands = 0 : i64, tpu.core_type = #tpu.core_type<tc>, window_params = [{transform_indices = @transform_0, window_bounds = array<i64: 32, 768>}, {transform_indices = @transform_1, window_bounds = array<i64: 1, 768, 384>}, {transform_indices = @transform_2, window_bounds = array<i64: 1, 768, 384>}, {transform_indices = @transform_3, window_bounds = array<i64: 1, 384, 768>}, {transform_indices = @transform_4, window_bounds = array<i64: 32, 768>}]} {
    %get3A = arith.constant 0 : index
    %get3A_0 = arith.constant 0 : index
    %get3A_1 = vector.load %arg2[%get3A, %get3A_0] : memref<32x768xf32, #tpu.memory_space<vmem>>, vector<32x768xf32>
    %get3A_2 = arith.constant 0 : index
    %get3A_3 = arith.constant 0 : index
    %get3A_4 = arith.constant 0 : index
    %get3A_5 = vector.load %arg3[%get3A_2, %get3A_3, %get3A_4] : memref<1x768x384xf32, #tpu.memory_space<vmem>>, vector<1x768x384xf32>
    %get3A_6 = vector.shape_cast %get3A_5 : vector<1x768x384xf32> to vector<768x384xf32>
    %dot_general3A = arith.constant dense<0.000000e+00> : vector<32x384xf32>
    %dot_general3A_7 = tpu.matmul %get3A_1, %get3A_6, %dot_general3A {dimension_numbers = #tpu.dot_dimension_numbers<[1], [0], [0], [1], [0, 0, 1, 1], [], []>, transpose_lhs_hint = false} : vector<32x768xf32>, vector<768x384xf32>, vector<32x384xf32> -> vector<32x384xf32>
    %get3A_8 = arith.constant 0 : index
    %get3A_9 = arith.constant 0 : index
    %get3A_10 = arith.constant 0 : index
    %get3A_11 = vector.load %arg4[%get3A_8, %get3A_9, %get3A_10] : memref<1x768x384xf32, #tpu.memory_space<vmem>>, vector<1x768x384xf32>
    %get3A_12 = vector.shape_cast %get3A_11 : vector<1x768x384xf32> to vector<768x384xf32>
    %dot_general3A_13 = arith.constant dense<0.000000e+00> : vector<32x384xf32>
    %dot_general3A_14 = tpu.matmul %get3A_1, %get3A_12, %dot_general3A_13 {dimension_numbers = #tpu.dot_dimension_numbers<[1], [0], [0], [1], [0, 0, 1, 1], [], []>, transpose_lhs_hint = false} : vector<32x768xf32>, vector<768x384xf32>, vector<32x384xf32> -> vector<32x384xf32>
    %neg3A = arith.constant 0.000000e+00 : f32
    %neg3A_15 = vector.broadcast %neg3A : f32 to vector<32x384xf32>
    %neg3A_16 = arith.subf %neg3A_15, %dot_general3A_7 : vector<32x384xf32>
    %exp3A = math.exp %neg3A_16 : vector<32x384xf32>
    %add3A = arith.constant 1.000000e+00 : f32
    %add3A_17 = vector.broadcast %add3A : f32 to vector<32x384xf32>
    %add3A_18 = arith.addf %add3A_17, %exp3A : vector<32x384xf32>
    %div3A = arith.constant 1.000000e+00 : f32
    %div3A_19 = vector.broadcast %div3A : f32 to vector<32x384xf32>
    %div3A_20 = arith.divf %div3A_19, %add3A_18 : vector<32x384xf32>
    %mul3A = arith.mulf %dot_general3A_7, %div3A_20 : vector<32x384xf32>
    %mul3A_21 = arith.mulf %mul3A, %dot_general3A_14 : vector<32x384xf32>
    %get3A_22 = arith.constant 0 : index
    %get3A_23 = arith.constant 0 : index
    %get3A_24 = arith.constant 0 : index
    %get3A_25 = vector.load %arg5[%get3A_22, %get3A_23, %get3A_24] : memref<1x384x768xf32, #tpu.memory_space<vmem>>, vector<1x384x768xf32>
    %get3A_26 = vector.shape_cast %get3A_25 : vector<1x384x768xf32> to vector<384x768xf32>
    %dot_general3A_27 = arith.constant dense<0.000000e+00> : vector<32x768xf32>
    %dot_general3A_28 = tpu.matmul %mul3A_21, %get3A_26, %dot_general3A_27 {dimension_numbers = #tpu.dot_dimension_numbers<[1], [0], [0], [1], [0, 0, 1, 1], [], []>, transpose_lhs_hint = false} : vector<32x384xf32>, vector<384x768xf32>, vector<32x768xf32> -> vector<32x768xf32>
    %convert_element_type3A = arith.truncf %dot_general3A_28 : vector<32x768xf32> to vector<32x768xbf16>
    %swap3A = arith.constant 0 : index
    %swap3A_29 = arith.constant 0 : index
    %swap3A_30 = vector.load %arg6[%swap3A, %swap3A_29] : memref<32x768xbf16, #tpu.memory_space<vmem>>, vector<32x768xbf16>
    tpu.vector_store %arg6[%swap3A, %swap3A_29], %convert_element_type3A {strides = array<i32>} : memref<32x768xbf16, #tpu.memory_space<vmem>>, vector<32x768xbf16>,
    return
  }
  func.func @transform_0(%arg0: i32, %arg1: memref<128xi32, #tpu.memory_space<smem>>) -> (i32, i32) {
    %c0_i32 = arith.constant 0 : i32
    %c0_i32_0 = arith.constant 0 : i32
    return %arg0, %c0_i32 : i32, i32
  }
  func.func @transform_1(%arg0: i32, %arg1: memref<128xi32, #tpu.memory_space<smem>>) -> (i32, i32, i32) {
    %get3A = arith.index_cast %arg0 : i32 to index
    %get3A_0 = memref.load %arg1[%get3A] : memref<128xi32, #tpu.memory_space<smem>>
    %c0_i32 = arith.constant 0 : i32
    %c0_i32_1 = arith.constant 0 : i32
    %c0_i32_2 = arith.constant 0 : i32
    return %get3A_0, %c0_i32, %c0_i32_1 : i32, i32, i32
  }
  func.func @transform_2(%arg0: i32, %arg1: memref<128xi32, #tpu.memory_space<smem>>) -> (i32, i32, i32) {
    %get3A = arith.index_cast %arg0 : i32 to index
    %get3A_0 = memref.load %arg1[%get3A] : memref<128xi32, #tpu.memory_space<smem>>
    %c0_i32 = arith.constant 0 : i32
    %c0_i32_1 = arith.constant 0 : i32
    %c0_i32_2 = arith.constant 0 : i32
    return %get3A_0, %c0_i32, %c0_i32_1 : i32, i32, i32
  }
  func.func @transform_3(%arg0: i32, %arg1: memref<128xi32, #tpu.memory_space<smem>>) -> (i32, i32, i32) {
    %get3A = arith.index_cast %arg0 : i32 to index
    %get3A_0 = memref.load %arg1[%get3A] : memref<128xi32, #tpu.memory_space<smem>>
    %c0_i32 = arith.constant 0 : i32
    %c0_i32_1 = arith.constant 0 : i32
    %c0_i32_2 = arith.constant 0 : i32
    return %get3A_0, %c0_i32, %c0_i32_1 : i32, i32, i32
  }
  func.func @transform_4(%arg0: i32, %arg1: memref<128xi32, #tpu.memory_space<smem>>) -> (i32, i32) {
    %c0_i32 = arith.constant 0 : i32
    %c0_i32_0 = arith.constant 0 : i32
    return %arg0, %c0_i32 : i32, i32
  }
}

module attributes {stable_mosaic.version = 14 : i64} {
  func.func @_final_body(%arg0: i32, %arg1: memref<512x768xf32, #tpu.memory_space<vmem>>, %arg2: memref<4096x768xbf16, #tpu.memory_space<vmem>>, %arg3: memref<512x1xi32, #tpu.memory_space<vmem>>, %arg4: memref<512x768xf32, #tpu.memory_space<vmem>>) attributes {dimension_semantics = [#tpu.dimension_semantics<arbitrary>], iteration_bounds = array<i64: 4>, scalar_prefetch = 0 : i64, scratch_operands = 0 : i64, tpu.core_type = #tpu.core_type<tc>, window_params = [{transform_indices = @transform_0, window_bounds = array<i64: 512, 768>}, {pipeline_mode = #tpu.pipeline_mode<synchronous>, transform_indices = @transform_1, window_bounds = array<i64: 4096, 768>}, {transform_indices = @transform_2, window_bounds = array<i64: 512, 1>}, {transform_indices = @transform_3, window_bounds = array<i64: 512, 768>}]} {
    %get3A = arith.constant 0 : index
    %get3A_0 = arith.constant 0 : index
    %get3A_1 = vector.load %arg3[%get3A, %get3A_0] : memref<512x1xi32, #tpu.memory_space<vmem>>, vector<512x1xi32>
    %iota3A = tpu.iota {dimensions = array<i32: 1>} : vector<512x4096xi32>
    %eq3A = vector.broadcast %get3A_1 : vector<512x1xi32> to vector<512x4096xi32>
    %eq3A_2 = arith.cmpi eq, %iota3A, %eq3A : vector<512x4096xi32>
    %convert_element_type3A = arith.extui %eq3A_2 : vector<512x4096xi1> to vector<512x4096xi32>
    %convert_element_type3A_3 = arith.sitofp %convert_element_type3A : vector<512x4096xi32> to vector<512x4096xf32>
    %convert_element_type3A_4 = arith.truncf %convert_element_type3A_3 : vector<512x4096xf32> to vector<512x4096xbf16>
    %get3A_5 = arith.constant 0 : index
    %get3A_6 = arith.constant 0 : index
    %get3A_7 = vector.load %arg2[%get3A_5, %get3A_6] : memref<4096x768xbf16, #tpu.memory_space<vmem>>, vector<4096x768xbf16>
    %dot_general3A = arith.constant dense<0.000000e+00> : vector<512x768xf32>
    %dot_general3A_8 = tpu.matmul %convert_element_type3A_4, %get3A_7, %dot_general3A {dimension_numbers = #tpu.dot_dimension_numbers<[1], [0], [0], [1], [0, 0, 1, 1], [], []>, transpose_lhs_hint = false} : vector<512x4096xbf16>, vector<4096x768xbf16>, vector<512x768xf32> -> vector<512x768xf32>
    %get3A_9 = arith.constant 0 : index
    %get3A_10 = arith.constant 0 : index
    %get3A_11 = vector.load %arg1[%get3A_9, %get3A_10] : memref<512x768xf32, #tpu.memory_space<vmem>>, vector<512x768xf32>
    %add3A = arith.addf %get3A_11, %dot_general3A_8 : vector<512x768xf32>
    %swap3A = arith.constant 0 : index
    %swap3A_12 = arith.constant 0 : index
    %swap3A_13 = vector.load %arg4[%swap3A, %swap3A_12] : memref<512x768xf32, #tpu.memory_space<vmem>>, vector<512x768xf32>
    tpu.vector_store %arg4[%swap3A, %swap3A_12], %add3A {strides = array<i32>} : memref<512x768xf32, #tpu.memory_space<vmem>>, vector<512x768xf32>,
    return
  }
  func.func @transform_0(%arg0: i32) -> (i32, i32) {
    %c0_i32 = arith.constant 0 : i32
    %c0_i32_0 = arith.constant 0 : i32
    return %arg0, %c0_i32 : i32, i32
  }
  func.func @transform_1(%arg0: i32) -> (i32, i32) {
    %c0_i32 = arith.constant 0 : i32
    %c0_i32_0 = arith.constant 0 : i32
    %c0_i32_1 = arith.constant 0 : i32
    return %c0_i32, %c0_i32_0 : i32, i32
  }
  func.func @transform_2(%arg0: i32) -> (i32, i32) {
    %c0_i32 = arith.constant 0 : i32
    %c0_i32_0 = arith.constant 0 : i32
    return %arg0, %c0_i32 : i32, i32
  }
  func.func @transform_3(%arg0: i32) -> (i32, i32) {
    %c0_i32 = arith.constant 0 : i32
    %c0_i32_0 = arith.constant 0 : i32
    return %arg0, %c0_i32 : i32, i32
  }
}

</mosaic_0001>

<sc_bundles>
// kernel: kernel.8.cloned.1.call-start
scs
__scs_entry_jumppad:
0x0: {  	(pc) =	sbr.rel $0x88, $3  }
0x1: {  	(tag) =	ssettag $0x0;
	lr =	simm.s32 $0x1  }
0x2: {  	[smem:$0x3F94] =	sst lr;
	_ =	strace $0xD0000000  }
0x3: {  	_ = 	snop  }
0x4: {  	_ = 	snop  }
0x5: {  	_ = 	snop  }
0x6: {  	_ = 	snop  }
0x7: {  	_ = 	snop  }
__scs_overlays_trampoline_lowered:
0x8: {  	[smem:$0x3FA3] =	sst s0  }
0x9: {  	[smem:$0x3FA4] =	sst s1  }
0xa: {  	[smem:$0x3FA5] =	sst s2  }
0xb: {  	[smem:$0x3FA6] =	sst s3  }
0xc: {  	[smem:$0x3FA7] =	sst s4  }
0xd: {  	[smem:$0x3FA8] =	sst s5  }
0xe: {  	[smem:$0x3FA9] =	sst s6  }
0xf: {  	[smem:$0x3FAA] =	sst s7  }
0x10: {  	[smem:$0x3FAB] =	sst s8  }
0x11: {  	[smem:$0x3FAC] =	sst s9;
	s0 =	simm.s32 @!p0 $0x0  }
0x12: {  	s1 =	sld [smem:$0x3F92];
	s0 =	simm.s32 @p0 $0x1  }
0x13: {  	[smem:$0x3FAD] =	sst s0;
	s0 =	simm.s32 @!p1 $0x0  }
0x14: {  	s2 =	sld [smem:$0x3F91];
	s0 =	simm.s32 @p1 $0x1  }
0x15: {  	[smem:$0x3FAE] =	sst s0;
	s0 =	simm.s32 @!p2 $0x0  }
0x16: {  	s3 =	sld [smem:$0x3FDB];
	s0 =	simm.s32 @p2 $0x1  }
0x17: {  	s4 =	simm.s32 $0x1BF5;
	[smem:$0x3FB0] =	sst s0  }
0x18: {  	s0 =	sld [smem:$0x3F93];
	_ =	swait.ge [sflag:s4], $0x0  }
0x19: {  	s7 =	sld [smem:$0x3F94]  }
0x1a: {  	s8 =	sadd.s32 $0xFFFFE003, lr  }
0x1b: {  	s9 =	sadd.s32 $0xFFFFFEF7, lr;
	s5 =	simm.s32 $0xFFFFFFFF;
	p2 =	slt.u32 s8, $0xFFFFF086  }
0x1c: {  	p1 =	slt.u32 s9, $0xF7A;
	s5 =	simm.s32 @!p2 $0x0  }
0x1d: {  	s5 =	simm.s32 @p1 $0x1;
	p0 =	seq.s32 s7, s2  }
0x1e: {  	s7 =	smul.u32 @!p0 $0xF7A, s2;
	p2 =	seq.s32 @!p0 s5, $0x0  }
0x1f: {  	s9 =	smul.u32 $0xF7A, s1;
	s8 =	simm.s32 @!p0 $0x1BF5;
	p2 =	por !p2, p0  }
0x20: {  	[sflag:s8] =	ssyncset.s32 @!p0 $0xFFFFF086;
	s6 =	sadd.s32 @!p0 s3, s7;
	s7 =	simm.s32 @!p0 $0x108  }
0x21: {  	s3 =	sadd.s32 s3, s9;
	s6 =	sadd.s32 @!p0 $0x88, s6;
	s7 =	simm.s32 @p2 $0x1082  }
0x22: {  	[simem:s7], [sflag:s8] =	dma.local @!p0 [hbm:s6], $0xF7A  }
0x23: {  	s9 =	sor.u32 $0xD0000000, s2;
	s6 =	simm.s32 $0x108;
	_ =	swait.ge @!p0 [sflag:s8], $0x0  }
0x24: {  	s3 =	sadd.s32 $0x88, s3;
	s6 =	simm.s32 @!p1 $0x1082;
	[sflag:s4] =	ssyncset.s32 $0xFFFFF086  }
0x25: {  	[simem:s6], [sflag:s4] =	dma.local [hbm:s3], $0xF7A  }
0x26: {  	[smem:$0x3F94] =	sst s1;
	(tag) =	ssettag s2;
	_ =	strace s9  }
0x27: {  	s1 =	sld [smem:$0x3FA4]  }
0x28: {  	s2 =	sld [smem:$0x3FA5]  }
0x29: {  	s4 =	sld [smem:$0x3FA7]  }
0x2a: {  	p0 =	seq.s32 s5, $0x0;
	s5 =	sld [smem:$0x3FA8]  }
0x2b: {  	s6 =	sld [smem:$0x3FA9]  }
0x2c: {  	s7 =	sld [smem:$0x3FAA]  }
0x2d: {  	s3 =	simm.s32 $0x108;
	s8 =	sld [smem:$0x3FAB]  }
0x2e: {  	s3 =	simm.s32 @!p0 $0x1082;
	s9 =	sld [smem:$0x3FAC]  }
0x2f: {  	lr =	sadd.s32 s0, s3;
	s0 =	sld [smem:$0x3FA3]  }
0x30: {  	s3 =	sld [smem:$0x3FA6]  }
0x31: {  	[smem:$0x3FAF] =	sst s10  }
0x32: {  	s10 =	sld [smem:$0x3FAD];
	_ =	sdelay $0x3  }
0x33: {  	p0 =	seq.s32 s10, $0x1;
	s10 =	sld [smem:$0x3FAF];
	_ =	sdelay $0x3  }
0x34: {  	[smem:$0x3FAF] =	sst s10  }
0x35: {  	s10 =	sld [smem:$0x3FAE];
	_ =	sdelay $0x3  }
0x36: {  	p1 =	seq.s32 s10, $0x1;
	s10 =	sld [smem:$0x3FAF];
	_ =	sdelay $0x3  }
0x37: {  	[smem:$0x3FAF] =	sst s10  }
0x38: {  	s10 =	sld [smem:$0x3FB0]  }
0x39: {  	_ = 	snop;
	(pc) =	sbr.ind lr, $3  }
0x3a: {  	_ = 	snop  }
0x3b: {  	_ = 	snop  }
0x3c: {  	p2 =	seq.s32 s10, $0x1;
	s10 =	sld [smem:$0x3FAF]  }
0x3d: {  	_ =	shalt  }
0x3e: {  	_ =	shalt  }
0x3f: {  	_ =	shalt  }
0x40: {  	_ =	shalt  }
0x41: {  	_ =	shalt  }
0x42: {  	_ =	shalt  }
0x43: {  	_ =	shalt  }
0x44: {  	_ =	shalt  }
0x45: {  	_ =	shalt  }
0x46: {  	_ =	shalt  }
0x47: {  	_ =	shalt  }
0x48: {  	_ =	shalt  }
0x49: {  	_ =	shalt  }
0x4a: {  	_ =	shalt  }
0x4b: {  	_ =	shalt  }
0x4c: {  	_ =	shalt  }
0x4d: {  	_ =	shalt  }
0x4e: {  	_ =	shalt  }
0x4f: {  	_ =	shalt  }
0x50: {  	_ =	shalt  }
0x51: {  	_ =	shalt  }
0x52: {  	_ =	shalt  }
0x53: {  	_ =	shalt  }
0x54: {  	_ =	shalt  }
0x55: {  	_ =	shalt  }
0x56: {  	_ =	shalt  }
0x57: {  	_ =	shalt  }
0x58: {  	_ =	shalt  }
0x59: {  	_ =	shalt  }
0x5a: {  	_ =	shalt  }
0x5b: {  	_ =	shalt  }
0x5c: {  	_ =	shalt  }
0x5d: {  	_ =	shalt  }
0x5e: {  	_ =	shalt  }
0x5f: {  	_ =	shalt  }
0x60: {  	_ =	shalt  }
0x61: {  	_ =	shalt  }
0x62: {  	_ =	shalt  }
0x63: {  	_ =	shalt  }
0x64: {  	_ =	shalt  }
0x65: {  	_ =	shalt  }
0x66: {  	_ =	shalt  }
0x67: {  	_ =	shalt  }
0x68: {  	_ =	shalt  }
0x69: {  	_ =	shalt  }
0x6a: {  	_ =	shalt  }
0x6b: {  	_ =	shalt  }
0x6c: {  	_ =	shalt  }
0x6d: {  	_ =	shalt  }
0x6e: {  	_ =	shalt  }
0x6f: {  	_ =	shalt  }
0x70: {  	_ =	shalt  }
0x71: {  	_ =	shalt  }
0x72: {  	_ =	shalt  }
0x73: {  	_ =	shalt  }
0x74: {  	_ =	shalt  }
0x75: {  	_ =	shalt  }
0x76: {  	_ =	shalt  }
0x77: {  	_ =	shalt  }
0x78: {  	_ =	shalt  }
0x79: {  	_ =	shalt  }
0x7a: {  	_ =	shalt  }
0x7b: {  	_ =	shalt  }
0x7c: {  	_ =	shalt  }
0x7d: {  	_ =	shalt  }
0x7e: {  	_ =	shalt  }
0x7f: {  	_ =	shalt  }
0x80: {  	_ =	shalt  }
0x81: {  	_ =	shalt  }
0x82: {  	_ =	shalt  }
0x83: {  	_ =	shalt  }
0x84: {  	_ =	shalt  }
0x85: {  	_ =	shalt  }
0x86: {  	_ =	shalt  }
0x87: {  	_ =	shalt  }
.Lfunc_end0:
.L_simem_size_0:
called_computation.1_lowered:
.L_overlay_start_0:
0x88: {  	s2 =	sld [smem:$0x3FD9]  }
0x89: {  	s3 =	sld [smem:$0x3FFE];
	_ =	sdelay $0x1  }
0x8a: {  	s1 =	srdreg.scid  }
0x8b: {  	s0 =	sand.u32 $0x1, s1  }
0x8c: {  	s16 =	sshll.u32 s0, $0xA;
	s2 =	sadd.s32 s3, s2  }
0x8d: {  	s2 =	sadd.s32 s2, s16  }
0x8e: {  	[smem:$0x3FBB] =	sst s2  }
0x8f: {  	_ = 	snop  }
0x90: {  	(tm) =	ssettm $0x1  }
0x91: {  	s17 =	sld [smem:$0x3FFB];
	_ =	sdelay $0x3  }
0x92: {  	_ =	strace s17  }
0x93: {  	s2 =	sld [smem:$0x3FFC];
	_ =	sdelay $0x3  }
0x94: {  	_ =	strace s2  }
0x95: {  	s2 =	sld [smem:$0x3FFD];
	_ =	sdelay $0x3  }
0x96: {  	_ =	strace s2  }
0x97: {  	_ =	strace $0x8FFFFFFF  }
0x98: {  	s18 =	sld [smem:$0x3FDB];
	_ =	sdelay $0x1  }
0x99: {  	s19 =	simm.s32 $_scs_section_size  }
0x9a: {  	s4 =	simm.s32 $_size__tile_overlayer_lowered;
	s5 =	simm.s32 $_tile_overlayer_lowered  }
0x9b: {  	s22 =	simm.s32 $0x1BFF;
	s21 =	sshll.u32 s5, $0x1;
	s2 =	sadd.s32 s19, s18  }
0x9c: {  	s6 =	simm.s32 $0x0;
	s20 =	sshll.u32 s4, $0x1;
	s4 =	sadd.s32 s21, s2  }
0x9d: {  	[timem:s6], [sflag:s22] =	dma.local [hbm:s4], s20  }
0x9e: {  	_ =	swait.ge [sflag:s22], s20  }
0x9f: {  	s3 =	ssub.s32 $0x0, s20;
	[sflag:s22] =	ssyncset.done $0x0  }
0xa0: {  	[sflag:s22] =	ssyncadd.s32 s3;
	_ =	sdelay $0x1  }
0xa1: {  	s23 =	simm.s32 $0x1B8B  }
0xa2: {  	_ =	swait.ge [sflag:s23], $0x1  }
0xa3: {  	[sflag:s23] =	ssyncset.done $0x0  }
0xa4: {  	s25 =	simm.s32 $0x1B8E;
	s24 =	sld [smem:$0x3FFE];
	[sflag:s23] =	ssyncadd.s32 $0xFFFFFFFF  }
0xa5: {  	s26 =	simm.s32 $execute0_lowered;
	[smem:$0x3FD2] =	sst s25  }
0xa6: {  	s4 =	sshll.u32 s26, $0x1;
	_ =	strace $0x80000049;
	[dreg:$0x1] =	wrdreg $0xFFFFFFFF  }
0xa7: {  	s28 =	simm.s32 $_size_execute0_lowered;
	s2 =	sadd.s32 s2, s4;
	[dreg:$0x0] =	wrdreg $0x0  }
0xa8: {  	s4 =	sshll.u32 s28, $0x1;
	[dreg:$0x2] =	wrdreg s2  }
0xa9: {  	[dreg:$0x3] =	wrdreg s4  }
0xaa: {  	[dreg:$0x4] =	wrdreg $0xC0  }
0xab: {  	_ =	task [dreg:s6], $0x5FFFF  }
0xac: {  	[dreg:$0x1] =	wrdreg $0xFFFFFFFF  }
0xad: {  	[dreg:$0x0] =	wrdreg $0x60  }
0xae: {  	[dreg:$0x2] =	wrdreg s24  }
0xaf: {  	[dreg:$0x3] =	wrdreg $0x9  }
0xb0: {  	_ =	task.clear_ibuf [dreg:s6], $0x4FFFF;
	_ =	strace $0x90000049  }
0xb1: {  	s29 =	simm.s32 $0x9;
	_ =	strace $0x8000004B  }
0xb2: {  	_ =	swait.ge [sflag:s29], $0x1  }
0xb3: {  	[sflag:s29] =	ssyncadd.s32 $0xFFFFFFFF  }
0xb4: {  	_ =	strace $0x9000004B  }
0xb5: {  	_ =	sfence  }
0xb6: {  	s30 =	sld [smem:$0x0];
	_ =	sdelay $0x2  }
0xb7: {  	s31 =	sshll.u32 s1, $0xD;
	s1 =	sshrl.u32 s1, $0x2  }
0xb8: {  	s3 =	sand.u32 $0x4000, s31;
	s1 =	sadd.s32 s1, s30  }
0xb9: {  	s0 =	sor.u32 s3, s0;
	s1 =	sshll.u32 s1, $0x11  }
0xba: {  	s0 =	sor.u32 s1, s0  }
0xbb: {  	s0 =	sadd.s32 $0x8F2B, s0  }
0xbc: {  	[sflag:s0] =	ssyncadd.remote.s32 $0x1  }
0xbd: {  	_ =	sfence.sel $0xFFFF  }
0xbe: {  	[dreg:$0x0] =	wrdreg $0xFFFFFFFF;
	(pc) =	sbr.abs _section_cstart, $3  }
0xbf: {  	[dreg:$0x1] =	wrdreg $0xFFFFFFFF  }
0xc0: {  	_ =	task.clear_ibuf [dreg:s6], $0x2FFFF;
	_ =	strace $0x9FFFFFFF  }
0xc1: {  	(tm) =	ssettm $0x7FFFFFFF  }
tec
execute0_lowered:
.L_overlay_start_1:
0x0: {  	(tag) =	ssettag $0x1  }
0x1: {  	s1 =	srdreg.scid  }
0x2: {  	s0 =	stileid.u32;
	s1 =	sand.u32 $0x1, s1  }
0x3: {  	s2 =	sshll.u32 s0, $0x5;
	s3 =	sshll.u32 s1, $0x4  }
0x4: {  	s5 =	rddreg [dreg:$0x0];
	s3 =	sor.u32 s3, s2;
	s2 =	simm.s32 $0x0  }
0x5: {  	s26 =	simm.s32 $0x880;
	[smem:$0x7FF] =	sst s2  }
0x6: {  	s0 =	simm.s32 $0x1080;
	_ =	strace $0x8000004A;
	[dreg:$0x4] =	wrdreg s26  }
0x7: {  	s6 =	simm.s32 $0x2080;
	[dreg:$0x5] =	wrdreg s0  }
0x8: {  	s7 =	simm.s32 $0x2880;
	[dreg:$0x7] =	wrdreg s6  }
0x9: {  	s8 =	simm.s32 $0x3080;
	[dreg:$0x8] =	wrdreg s7  }
0xa: {  	s9 =	simm.s32 $0x3880;
	[dreg:$0x9] =	wrdreg s8  }
0xb: {  	s10 =	simm.s32 $0x4080;
	[dreg:$0xa] =	wrdreg s9  }
0xc: {  	s11 =	simm.s32 $0x4880;
	[dreg:$0xb] =	wrdreg s10  }
0xd: {  	s12 =	simm.s32 $0x5080;
	[dreg:$0xc] =	wrdreg s11  }
0xe: {  	s13 =	simm.s32 $0x5880;
	[dreg:$0xd] =	wrdreg s12  }
0xf: {  	s14 =	simm.s32 $0x6080;
	[dreg:$0xe] =	wrdreg s13  }
0x10: {  	s15 =	simm.s32 $0x6880;
	[dreg:$0xf] =	wrdreg s14  }
0x11: {  	s16 =	simm.s32 $0x7080;
	[dreg:$0x10] =	wrdreg s15  }
0x12: {  	s17 =	simm.s32 $0x7880;
	s18 =	simm.s32 $0x8080;
	[dreg:$0x11] =	wrdreg s16  }
0x13: {  	s19 =	simm.s32 $0x8880;
	s20 =	simm.s32 $0x9080;
	[dreg:$0x12] =	wrdreg s17  }
0x14: {  	s21 =	simm.s32 $0x9880;
	s22 =	simm.s32 $0xA080;
	[dreg:$0x13] =	wrdreg s18  }
0x15: {  	s23 =	simm.s32 $0xA880;
	s24 =	simm.s32 $0xB880;
	[dreg:$0x14] =	wrdreg s19  }
0x16: {  	s28 =	simm.s32 $0x16080;
	s29 =	simm.s32 $0x16880;
	[dreg:$0x15] =	wrdreg s20  }
0x17: {  	s30 =	simm.s32 $0x17080;
	s31 =	simm.s32 $0x17880;
	[dreg:$0x16] =	wrdreg s21  }
0x18: {  	s4 =	smul.u32 $0x300, s3;
	s3 =	sadd.s32 s3, s5;
	[dreg:$0x17] =	wrdreg s22  }
0x19: {  	s1 =	ssub.s32 $0x2, s1;
	s3 =	sadd.s32 $0x30200, s3;
	[dreg:$0x18] =	wrdreg s23  }
0x1a: {  	s6 =	sshrl.u32 s1, $0x1;
	s7 =	simm.s32 $0xB080;
	[dreg:$0x1a] =	wrdreg s24  }
0x1b: {  	s8 =	simm.s32 $0x80;
	s26 =	simm.s32 $0xC880;
	s10 =	simm.s32 $0xD880  }
0x1c: {  	s11 =	simm.s32 $0xE080;
	s12 =	simm.s32 $0xE880;
	s13 =	simm.s32 $0xF080  }
0x1d: {  	s14 =	simm.s32 $0xF880;
	s15 =	simm.s32 $0x10080;
	s16 =	simm.s32 $0x10880  }
0x1e: {  	s17 =	simm.s32 $0x11080;
	s18 =	simm.s32 $0x11880;
	s19 =	simm.s32 $0x12080  }
0x1f: {  	s20 =	simm.s32 $0x12880;
	s21 =	simm.s32 $0x13080;
	s22 =	simm.s32 $0x13880  }
0x20: {  	s23 =	simm.s32 $0x14080;
	s24 =	simm.s32 $0x14880;
	[dreg:$0x2] =	wrdreg s3  }
0x21: {  	s4 =	sadd.s32 s4, s5;
	s3 =	sadd.s32 $0x200, s5;
	[dreg:$0x19] =	wrdreg s7  }
0x22: {  	s1 =	ssub.s32 s1, s6;
	s7 =	simm.s32 $0x2;
	[dreg:$0x1c] =	wrdreg s26  }
0x23: {  	s26 =	simm.s32 $0x15880;
	s25 =	sadd.s32 $0x30400, s4;
	s4 =	simm.s32 $0x1880  }
0x24: {  	v2 =	vlaneseq.u32;
	s6 =	smax.u32 s1, $0x1;
	s1 =	simm.s32 $0x1;
	[dreg:$0x3] =	wrdreg s25  }
0x25: {  	vm0 =	vmmov $0xffff;
	v1 =	vshrl.u32 v2, $0x3;
	[dreg:$0x6] =	wrdreg s4;
	s4 =	sadd.s32 $0x300, s5;
	s25 =	simm.s32 $0xC080  }
0x26: {  	v0 =	vand.u32 $0x7, v2;
	v2 =	vor.u32 $0x8, v2;
	v1 =	vmul.u32 $0x8, v1;
	s5 =	sadd.s32 $0x400, s5;
	[dreg:$0x1b] =	wrdreg s25;
	s25 =	simm.s32 $0x15080  }
.LBB2_1:
0x27: {  	s0 =	rddreg [dreg:$0x2]  }
0x28: {  	[tilespmem:s2], [sflag:$0x2] =	stream.linear.gather [hbm4b:s0+s2], $0x80, $0x38;
	[tilespmem:$0x18080] =	vst v63  }
0x29: {  	_ =	swait.ge [sflag:s7], $0x80  }
0x2a: {  	[sflag:s7] =	ssyncset.done $0x0  }
0x2b: {  	[sflag:s7] =	ssyncadd.s32 $0xFFFFFF80  }
0x2c: {  	v3 =	vld [tilespmem:$0x0];
	_ =	sdelay $0x4  }
0x2d: {  	v4 =	vshrl.u32 v3, $0x3  }
0x2e: {  	v4 =	vmul.u32 $0x30, v4  }
0x2f: {  	v3 =	vand.u32 $0x7, v3  }
0x30: {  	v3 =	vor.u32 v3, v4  }
0x31: {  	v4 =	vperm.xlane v3, v0;
	_ =	sdelay $0x1  }
0x32: {  	v4 =	vadd.s32 v1, v4;
	_ =	sdelay $0x3  }
0x33: {  	v3 =	vperm.xlane v3, v2  }
0x34: {  	[tilespmem:s8], [sflag:$0x1] =	stream.indirect_vreg.gather [hbm4b:s3+s2], $0x80, v4, vm0, $0xb8;
	[tilespmem:$0x18080] =	vst v63  }
0x35: {  	s0 =	rddreg [dreg:$0x4];
	v3 =	vadd.s32 v1, v3  }
0x36: {  	[tilespmem:s0], [sflag:$0x1] =	stream.indirect_vreg.gather [hbm4b:s4+s2], $0x80, v4, vm0, $0xb8;
	[tilespmem:$0x18080] =	vst v63  }
0x37: {  	s9 =	rddreg [dreg:$0x5]  }
0x38: {  	[tilespmem:s9], [sflag:$0x1] =	stream.indirect_vreg.gather [hbm4b:s5+s2], $0x80, v4, vm0, $0xb8;
	[tilespmem:$0x18080] =	vst v63  }
0x39: {  	s0 =	rddreg [dreg:$0x6]  }
0x3a: {  	[tilespmem:s0], [sflag:$0x1] =	stream.indirect_vreg.gather [hbm4b:s3+s2], $0x80, v3, vm0, $0xb8;
	[tilespmem:$0x18080] =	vst v63  }
0x3b: {  	s9 =	rddreg [dreg:$0x7]  }
0x3c: {  	[tilespmem:s9], [sflag:$0x1] =	stream.indirect_vreg.gather [hbm4b:s4+s2], $0x80, v3, vm0, $0xb8;
	[tilespmem:$0x18080] =	vst v63  }
0x3d: {  	s0 =	rddreg [dreg:$0x8]  }
0x3e: {  	[tilespmem:s0], [sflag:$0x1] =	stream.indirect_vreg.gather [hbm4b:s5+s2], $0x80, v3, vm0, $0xb8;
	[tilespmem:$0x18080] =	vst v63  }
0x3f: {  	v3 =	vld [tilespmem:$0x10];
	_ =	sdelay $0x4  }
0x40: {  	v57 =	vshrl.u32 v3, $0x3  }
0x41: {  	v4 =	vmul.u32 $0x30, v57  }
0x42: {  	v3 =	vand.u32 $0x7, v3  }
0x43: {  	v3 =	vor.u32 v3, v4  }
0x44: {  	v4 =	vperm.xlane v3, v0;
	_ =	sdelay $0x1  }
0x45: {  	v4 =	vadd.s32 v1, v4;
	_ =	sdelay $0x3  }
0x46: {  	s0 =	rddreg [dreg:$0x9];
	v3 =	vperm.xlane v3, v2  }
0x47: {  	[tilespmem:s0], [sflag:$0x1] =	stream.indirect_vreg.gather [hbm4b:s3+s2], $0x80, v4, vm0, $0xb8;
	[tilespmem:$0x18080] =	vst v63  }
0x48: {  	s9 =	rddreg [dreg:$0xa];
	v3 =	vadd.s32 v1, v3  }
0x49: {  	[tilespmem:s9], [sflag:$0x1] =	stream.indirect_vreg.gather [hbm4b:s4+s2], $0x80, v4, vm0, $0xb8;
	[tilespmem:$0x18080] =	vst v63  }
0x4a: {  	s0 =	rddreg [dreg:$0xb]  }
0x4b: {  	[tilespmem:s0], [sflag:$0x1] =	stream.indirect_vreg.gather [hbm4b:s5+s2], $0x80, v4, vm0, $0xb8;
	[tilespmem:$0x18080] =	vst v63  }
0x4c: {  	s9 =	rddreg [dreg:$0xc]  }
0x4d: {  	[tilespmem:s9], [sflag:$0x1] =	stream.indirect_vreg.gather [hbm4b:s3+s2], $0x80, v3, vm0, $0xb8;
	[tilespmem:$0x18080] =	vst v63  }
0x4e: {  	s0 =	rddreg [dreg:$0xd]  }
0x4f: {  	[tilespmem:s0], [sflag:$0x1] =	stream.indirect_vreg.gather [hbm4b:s4+s2], $0x80, v3, vm0, $0xb8;
	[tilespmem:$0x18080] =	vst v63  }
0x50: {  	s9 =	rddreg [dreg:$0xe]  }
0x51: {  	[tilespmem:s9], [sflag:$0x1] =	stream.indirect_vreg.gather [hbm4b:s5+s2], $0x80, v3, vm0, $0xb8;
	[tilespmem:$0x18080] =	vst v63  }
0x52: {  	v3 =	vld [tilespmem:$0x20];
	_ =	sdelay $0x4  }
0x53: {  	v58 =	vshrl.u32 v3, $0x3  }
0x54: {  	v4 =	vmul.u32 $0x30, v58  }
0x55: {  	v3 =	vand.u32 $0x7, v3  }
0x56: {  	v3 =	vor.u32 v3, v4  }
0x57: {  	v4 =	vperm.xlane v3, v0;
	_ =	sdelay $0x1  }
0x58: {  	v4 =	vadd.s32 v1, v4;
	_ =	sdelay $0x3  }
0x59: {  	s0 =	rddreg [dreg:$0xf];
	v3 =	vperm.xlane v3, v2  }
0x5a: {  	[tilespmem:s0], [sflag:$0x1] =	stream.indirect_vreg.gather [hbm4b:s3+s2], $0x80, v4, vm0, $0xb8;
	[tilespmem:$0x18080] =	vst v63  }
0x5b: {  	s9 =	rddreg [dreg:$0x10];
	v3 =	vadd.s32 v1, v3  }
0x5c: {  	[tilespmem:s9], [sflag:$0x1] =	stream.indirect_vreg.gather [hbm4b:s4+s2], $0x80, v4, vm0, $0xb8;
	[tilespmem:$0x18080] =	vst v63  }
0x5d: {  	s0 =	rddreg [dreg:$0x11]  }
0x5e: {  	[tilespmem:s0], [sflag:$0x1] =	stream.indirect_vreg.gather [hbm4b:s5+s2], $0x80, v4, vm0, $0xb8;
	[tilespmem:$0x18080] =	vst v63  }
0x5f: {  	s9 =	rddreg [dreg:$0x12]  }
0x60: {  	[tilespmem:s9], [sflag:$0x1] =	stream.indirect_vreg.gather [hbm4b:s3+s2], $0x80, v3, vm0, $0xb8;
	[tilespmem:$0x18080] =	vst v63  }
0x61: {  	s0 =	rddreg [dreg:$0x13]  }
0x62: {  	[tilespmem:s0], [sflag:$0x1] =	stream.indirect_vreg.gather [hbm4b:s4+s2], $0x80, v3, vm0, $0xb8;
	[tilespmem:$0x18080] =	vst v63  }
0x63: {  	s9 =	rddreg [dreg:$0x14]  }
0x64: {  	[tilespmem:s9], [sflag:$0x1] =	stream.indirect_vreg.gather [hbm4b:s5+s2], $0x80, v3, vm0, $0xb8;
	[tilespmem:$0x18080] =	vst v63  }
0x65: {  	v3 =	vld [tilespmem:$0x30];
	_ =	sdelay $0x4  }
0x66: {  	v59 =	vshrl.u32 v3, $0x3  }
0x67: {  	v4 =	vmul.u32 $0x30, v59  }
0x68: {  	v3 =	vand.u32 $0x7, v3  }
0x69: {  	v3 =	vor.u32 v3, v4  }
0x6a: {  	v4 =	vperm.xlane v3, v0;
	_ =	sdelay $0x1  }
0x6b: {  	v4 =	vadd.s32 v1, v4;
	_ =	sdelay $0x3  }
0x6c: {  	s0 =	rddreg [dreg:$0x15];
	v3 =	vperm.xlane v3, v2  }
0x6d: {  	[tilespmem:s0], [sflag:$0x1] =	stream.indirect_vreg.gather [hbm4b:s3+s2], $0x80, v4, vm0, $0xb8;
	[tilespmem:$0x18080] =	vst v63  }
0x6e: {  	s9 =	rddreg [dreg:$0x16];
	v3 =	vadd.s32 v1, v3  }
0x6f: {  	[tilespmem:s9], [sflag:$0x1] =	stream.indirect_vreg.gather [hbm4b:s4+s2], $0x80, v4, vm0, $0xb8;
	[tilespmem:$0x18080] =	vst v63  }
0x70: {  	s0 =	rddreg [dreg:$0x17]  }
0x71: {  	[tilespmem:s0], [sflag:$0x1] =	stream.indirect_vreg.gather [hbm4b:s5+s2], $0x80, v4, vm0, $0xb8;
	[tilespmem:$0x18080] =	vst v63  }
0x72: {  	s9 =	rddreg [dreg:$0x18]  }
0x73: {  	[tilespmem:s9], [sflag:$0x1] =	stream.indirect_vreg.gather [hbm4b:s3+s2], $0x80, v3, vm0, $0xb8;
	[tilespmem:$0x18080] =	vst v63  }
0x74: {  	s0 =	rddreg [dreg:$0x19]  }
0x75: {  	[tilespmem:s0], [sflag:$0x1] =	stream.indirect_vreg.gather [hbm4b:s4+s2], $0x80, v3, vm0, $0xb8;
	[tilespmem:$0x18080] =	vst v63  }
0x76: {  	s9 =	rddreg [dreg:$0x1a]  }
0x77: {  	[tilespmem:s9], [sflag:$0x1] =	stream.indirect_vreg.gather [hbm4b:s5+s2], $0x80, v3, vm0, $0xb8;
	[tilespmem:$0x18080] =	vst v63  }
0x78: {  	v3 =	vld [tilespmem:$0x40];
	_ =	sdelay $0x4  }
0x79: {  	v60 =	vshrl.u32 v3, $0x3  }
0x7a: {  	v4 =	vmul.u32 $0x30, v60  }
0x7b: {  	v3 =	vand.u32 $0x7, v3  }
0x7c: {  	v3 =	vor.u32 v3, v4  }
0x7d: {  	v4 =	vperm.xlane v3, v0;
	_ =	sdelay $0x1  }
0x7e: {  	v4 =	vadd.s32 v1, v4;
	_ =	sdelay $0x3  }
0x7f: {  	s0 =	rddreg [dreg:$0x1b];
	v3 =	vperm.xlane v3, v2  }
0x80: {  	[tilespmem:s0], [sflag:$0x1] =	stream.indirect_vreg.gather [hbm4b:s3+s2], $0x80, v4, vm0, $0xb8;
	[tilespmem:$0x18080] =	vst v63  }
0x81: {  	s9 =	rddreg [dreg:$0x1c];
	v3 =	vadd.s32 v1, v3  }
0x82: {  	[tilespmem:s9], [sflag:$0x1] =	stream.indirect_vreg.gather [hbm4b:s4+s2], $0x80, v4, vm0, $0xb8;
	[tilespmem:$0x18080] =	vst v63  }
0x83: {  	s9 =	simm.s32 $0xD080  }
0x84: {  	[tilespmem:s9], [sflag:$0x1] =	stream.indirect_vreg.gather [hbm4b:s5+s2], $0x80, v4, vm0, $0xb8;
	[tilespmem:$0x18080] =	vst v63  }
0x85: {  	_ = 	snop  }
0x86: {  	[tilespmem:s10], [sflag:$0x1] =	stream.indirect_vreg.gather [hbm4b:s3+s2], $0x80, v3, vm0, $0xb8;
	[tilespmem:$0x18080] =	vst v63  }
0x87: {  	_ = 	snop  }
0x88: {  	[tilespmem:s11], [sflag:$0x1] =	stream.indirect_vreg.gather [hbm4b:s4+s2], $0x80, v3, vm0, $0xb8;
	[tilespmem:$0x18080] =	vst v63  }
0x89: {  	_ = 	snop  }
0x8a: {  	[tilespmem:s12], [sflag:$0x1] =	stream.indirect_vreg.gather [hbm4b:s5+s2], $0x80, v3, vm0, $0xb8;
	[tilespmem:$0x18080] =	vst v63  }
0x8b: {  	v3 =	vld [tilespmem:$0x50];
	_ =	sdelay $0x4  }
0x8c: {  	v61 =	vshrl.u32 v3, $0x3  }
0x8d: {  	v4 =	vmul.u32 $0x30, v61  }
0x8e: {  	v3 =	vand.u32 $0x7, v3  }
0x8f: {  	v3 =	vor.u32 v3, v4  }
0x90: {  	v4 =	vperm.xlane v3, v0;
	_ =	sdelay $0x1  }
0x91: {  	v4 =	vadd.s32 v1, v4;
	_ =	sdelay $0x3  }
0x92: {  	v3 =	vperm.xlane v3, v2  }
0x93: {  	[tilespmem:s13], [sflag:$0x1] =	stream.indirect_vreg.gather [hbm4b:s3+s2], $0x80, v4, vm0, $0xb8;
	[tilespmem:$0x18080] =	vst v63  }
0x94: {  	v3 =	vadd.s32 v1, v3  }
0x95: {  	[tilespmem:s14], [sflag:$0x1] =	stream.indirect_vreg.gather [hbm4b:s4+s2], $0x80, v4, vm0, $0xb8;
	[tilespmem:$0x18080] =	vst v63  }
0x96: {  	_ = 	snop  }
0x97: {  	[tilespmem:s15], [sflag:$0x1] =	stream.indirect_vreg.gather [hbm4b:s5+s2], $0x80, v4, vm0, $0xb8;
	[tilespmem:$0x18080] =	vst v63  }
0x98: {  	_ = 	snop  }
0x99: {  	[tilespmem:s16], [sflag:$0x1] =	stream.indirect_vreg.gather [hbm4b:s3+s2], $0x80, v3, vm0, $0xb8;
	[tilespmem:$0x18080] =	vst v63  }
0x9a: {  	_ = 	snop  }
0x9b: {  	[tilespmem:s17], [sflag:$0x1] =	stream.indirect_vreg.gather [hbm4b:s4+s2], $0x80, v3, vm0, $0xb8;
	[tilespmem:$0x18080] =	vst v63  }
0x9c: {  	_ = 	snop  }
0x9d: {  	[tilespmem:s18], [sflag:$0x1] =	stream.indirect_vreg.gather [hbm4b:s5+s2], $0x80, v3, vm0, $0xb8;
	[tilespmem:$0x18080] =	vst v63  }
0x9e: {  	v3 =	vld [tilespmem:$0x60];
	_ =	sdelay $0x4  }
0x9f: {  	v62 =	vshrl.u32 v3, $0x3  }
0xa0: {  	v4 =	vmul.u32 $0x30, v62  }
0xa1: {  	v3 =	vand.u32 $0x7, v3  }
0xa2: {  	v3 =	vor.u32 v3, v4  }
0xa3: {  	v4 =	vperm.xlane v3, v0;
	_ =	sdelay $0x1  }
0xa4: {  	v4 =	vadd.s32 v1, v4;
	_ =	sdelay $0x3  }
0xa5: {  	v3 =	vperm.xlane v3, v2  }
0xa6: {  	[tilespmem:s19], [sflag:$0x1] =	stream.indirect_vreg.gather [hbm4b:s3+s2], $0x80, v4, vm0, $0xb8;
	[tilespmem:$0x18080] =	vst v63  }
0xa7: {  	v3 =	vadd.s32 v1, v3  }
0xa8: {  	[tilespmem:s20], [sflag:$0x1] =	stream.indirect_vreg.gather [hbm4b:s4+s2], $0x80, v4, vm0, $0xb8;
	[tilespmem:$0x18080] =	vst v63  }
0xa9: {  	_ = 	snop  }
0xaa: {  	[tilespmem:s21], [sflag:$0x1] =	stream.indirect_vreg.gather [hbm4b:s5+s2], $0x80, v4, vm0, $0xb8;
	[tilespmem:$0x18080] =	vst v63  }
0xab: {  	_ = 	snop  }
0xac: {  	[tilespmem:s22], [sflag:$0x1] =	stream.indirect_vreg.gather [hbm4b:s3+s2], $0x80, v3, vm0, $0xb8;
	[tilespmem:$0x18080] =	vst v63  }
0xad: {  	_ = 	snop  }
0xae: {  	[tilespmem:s23], [sflag:$0x1] =	stream.indirect_vreg.gather [hbm4b:s4+s2], $0x80, v3, vm0, $0xb8;
	[tilespmem:$0x18080] =	vst v63  }
0xaf: {  	_ = 	snop  }
0xb0: {  	[tilespmem:s24], [sflag:$0x1] =	stream.indirect_vreg.gather [hbm4b:s5+s2], $0x80, v3, vm0, $0xb8;
	[tilespmem:$0x18080] =	vst v63  }
0xb1: {  	v3 =	vld [tilespmem:$0x70];
	_ =	sdelay $0x4  }
0xb2: {  	v63 =	vshrl.u32 v3, $0x3  }
0xb3: {  	v4 =	vmul.u32 $0x30, v63  }
0xb4: {  	v3 =	vand.u32 $0x7, v3  }
0xb5: {  	v3 =	vor.u32 v3, v4  }
0xb6: {  	v4 =	vperm.xlane v3, v0;
	_ =	sdelay $0x1  }
0xb7: {  	v4 =	vadd.s32 v1, v4;
	_ =	sdelay $0x3  }
0xb8: {  	v3 =	vperm.xlane v3, v2  }
0xb9: {  	[tilespmem:s25], [sflag:$0x1] =	stream.indirect_vreg.gather [hbm4b:s3+s2], $0x80, v4, vm0, $0xb8;
	[tilespmem:$0x18080] =	vst v63  }
0xba: {  	v3 =	vadd.s32 v1, v3  }
0xbb: {  	[tilespmem:s26], [sflag:$0x1] =	stream.indirect_vreg.gather [hbm4b:s4+s2], $0x80, v4, vm0, $0xb8;
	[tilespmem:$0x18080] =	vst v63  }
0xbc: {  	_ = 	snop  }
0xbd: {  	[tilespmem:s28], [sflag:$0x1] =	stream.indirect_vreg.gather [hbm4b:s5+s2], $0x80, v4, vm0, $0xb8;
	[tilespmem:$0x18080] =	vst v63  }
0xbe: {  	_ = 	snop  }
0xbf: {  	[tilespmem:s29], [sflag:$0x1] =	stream.indirect_vreg.gather [hbm4b:s3+s2], $0x80, v3, vm0, $0xb8;
	[tilespmem:$0x18080] =	vst v63  }
0xc0: {  	_ = 	snop  }
0xc1: {  	[tilespmem:s30], [sflag:$0x1] =	stream.indirect_vreg.gather [hbm4b:s4+s2], $0x80, v3, vm0, $0xb8;
	[tilespmem:$0x18080] =	vst v63  }
0xc2: {  	_ = 	snop  }
0xc3: {  	[tilespmem:s31], [sflag:$0x1] =	stream.indirect_vreg.gather [hbm4b:s5+s2], $0x80, v3, vm0, $0xb8;
	[tilespmem:$0x18080] =	vst v63  }
0xc4: {  	_ =	swait.ge [sflag:s1], $0x18000  }
0xc5: {  	p0 =	sne.s32 s6, $0x1;
	[sflag:s1] =	ssyncset.done $0x0  }
.Ltmp0:
0xc6: {  	s9 =	rddreg [dreg:$0x3];
	[sflag:s1] =	ssyncadd.s32 $0xFFFE8000;
	(pc) =	sbr.rel @p0 .LBB2_1-.Ltmp0, $4  }
0xc7: {  	[hbm4b:s9+s2] =	stream.linear.scatter [tilespmem:s8], [sflag:$0x2], $0x18000, $0x38;
	[tilespmem:$0x18080] =	vst v63  }
0xc8: {  	_ =	swait.ge [sflag:s7], $0x18000  }
0xc9: {  	[sflag:s7] =	ssyncset.done $0x0  }
0xca: {  	s6 =	sadd.s32 $0xFFFFFFFF, s6;
	[sflag:s7] =	ssyncadd.s32 $0xFFFE8000  }
0xcb: {  	_ =	sfence.sel $0x180000  }
0xcc: {  	[bflag:$0x0] =	sbarrier.arrive $0xFFFF  }
0xcd: {  	_ =	strace $0x9000004A  }
0xce: {  	s0 =	stileid.u32;
	[bflag:$0x2] =	sbarrier.arrive $0xFFFF  }
0xcf: {  	p0 =	sne.s32 s0, $0x0;
	s0 =	rddreg [dreg:$0x1]  }
0xd0: {  	s0 =	sadd.s32 @!p0 $0x100000, s0  }
0xd1: {  	[sflag:s0] =	ssyncadd.tile.s32 @!p0 $0x1;
	_ =	shalt  }
.Lfunc_end2:
_tile_overlayer_lowered:
.L_overlay_start_2:
0xd2: {  	(tag) =	ssettag $0x2  }
0xd3: {  	s0 =	rddreg [dreg:$0x0];
	s2 =	stileid.u32  }
0xd4: {  	s1 =	rddreg [dreg:$0x1];
	p0 =	sne.s32 s2, $0x0  }
0xd5: {  	s3 =	rddreg [dreg:$0x2];
	[bflag:$0x3] =	sbarrier.arrive $0xFFFF;
	s2 =	simm.s32 @!p0 $0x1C02  }
0xd6: {  	[timem:s3], [sflag:s2] =	dma.local @!p0 [hbm:s0], s1  }
0xd7: {  	s0 =	simm.s32 @!p0 $0x2  }
0xd8: {  	_ =	swait.ge @!p0 [sflag:s0], s1  }
0xd9: {  	s1 =	ssub.s32 @!p0 $0x0, s1;
	[sflag:s0] =	ssyncset.done @!p0 $0x0  }
0xda: {  	[sflag:s0] =	ssyncadd.s32 @!p0 s1  }
0xdb: {  	[bflag:$0x3] =	sbarrier.arrive $0xFFFF  }
0xdc: {  	_ =	shalt  }

// kernel: scatter_offload_async_start
scs
__scs_entry_jumppad:
0x0: {  	(pc) =	sbr.rel $0x88, $3  }
0x1: {  	(tag) =	ssettag $0x0;
	lr =	simm.s32 $0x1  }
0x2: {  	[smem:$0x3F94] =	sst lr;
	_ =	strace $0xD0000000  }
0x3: {  	_ = 	snop  }
0x4: {  	_ = 	snop  }
0x5: {  	_ = 	snop  }
0x6: {  	_ = 	snop  }
0x7: {  	_ = 	snop  }
__scs_overlays_trampoline_lowered:
0x8: {  	[smem:$0x3FA3] =	sst s0  }
0x9: {  	[smem:$0x3FA4] =	sst s1  }
0xa: {  	[smem:$0x3FA5] =	sst s2  }
0xb: {  	[smem:$0x3FA6] =	sst s3  }
0xc: {  	[smem:$0x3FA7] =	sst s4  }
0xd: {  	[smem:$0x3FA8] =	sst s5  }
0xe: {  	[smem:$0x3FA9] =	sst s6  }
0xf: {  	[smem:$0x3FAA] =	sst s7  }
0x10: {  	[smem:$0x3FAB] =	sst s8  }
0x11: {  	[smem:$0x3FAC] =	sst s9;
	s0 =	simm.s32 @!p0 $0x0  }
0x12: {  	s1 =	sld [smem:$0x3F92];
	s0 =	simm.s32 @p0 $0x1  }
0x13: {  	[smem:$0x3FAD] =	sst s0;
	s0 =	simm.s32 @!p1 $0x0  }
0x14: {  	s2 =	sld [smem:$0x3F91];
	s0 =	simm.s32 @p1 $0x1  }
0x15: {  	[smem:$0x3FAE] =	sst s0;
	s0 =	simm.s32 @!p2 $0x0  }
0x16: {  	s3 =	sld [smem:$0x3FDB];
	s0 =	simm.s32 @p2 $0x1  }
0x17: {  	s4 =	simm.s32 $0x1BF5;
	[smem:$0x3FB0] =	sst s0  }
0x18: {  	s0 =	sld [smem:$0x3F93];
	_ =	swait.ge [sflag:s4], $0x0  }
0x19: {  	s7 =	sld [smem:$0x3F94]  }
0x1a: {  	s8 =	sadd.s32 $0xFFFFE003, lr  }
0x1b: {  	s9 =	sadd.s32 $0xFFFFFEF7, lr;
	s5 =	simm.s32 $0xFFFFFFFF;
	p2 =	slt.u32 s8, $0xFFFFF086  }
0x1c: {  	p1 =	slt.u32 s9, $0xF7A;
	s5 =	simm.s32 @!p2 $0x0  }
0x1d: {  	s5 =	simm.s32 @p1 $0x1;
	p0 =	seq.s32 s7, s2  }
0x1e: {  	s7 =	smul.u32 @!p0 $0xF7A, s2;
	p2 =	seq.s32 @!p0 s5, $0x0  }
0x1f: {  	s9 =	smul.u32 $0xF7A, s1;
	s8 =	simm.s32 @!p0 $0x1BF5;
	p2 =	por !p2, p0  }
0x20: {  	[sflag:s8] =	ssyncset.s32 @!p0 $0xFFFFF086;
	s6 =	sadd.s32 @!p0 s3, s7;
	s7 =	simm.s32 @!p0 $0x108  }
0x21: {  	s3 =	sadd.s32 s3, s9;
	s6 =	sadd.s32 @!p0 $0x88, s6;
	s7 =	simm.s32 @p2 $0x1082  }
0x22: {  	[simem:s7], [sflag:s8] =	dma.local @!p0 [hbm:s6], $0xF7A  }
0x23: {  	s9 =	sor.u32 $0xD0000000, s2;
	s6 =	simm.s32 $0x108;
	_ =	swait.ge @!p0 [sflag:s8], $0x0  }
0x24: {  	s3 =	sadd.s32 $0x88, s3;
	s6 =	simm.s32 @!p1 $0x1082;
	[sflag:s4] =	ssyncset.s32 $0xFFFFF086  }
0x25: {  	[simem:s6], [sflag:s4] =	dma.local [hbm:s3], $0xF7A  }
0x26: {  	[smem:$0x3F94] =	sst s1;
	(tag) =	ssettag s2;
	_ =	strace s9  }
0x27: {  	s1 =	sld [smem:$0x3FA4]  }
0x28: {  	s2 =	sld [smem:$0x3FA5]  }
0x29: {  	s4 =	sld [smem:$0x3FA7]  }
0x2a: {  	p0 =	seq.s32 s5, $0x0;
	s5 =	sld [smem:$0x3FA8]  }
0x2b: {  	s6 =	sld [smem:$0x3FA9]  }
0x2c: {  	s7 =	sld [smem:$0x3FAA]  }
0x2d: {  	s3 =	simm.s32 $0x108;
	s8 =	sld [smem:$0x3FAB]  }
0x2e: {  	s3 =	simm.s32 @!p0 $0x1082;
	s9 =	sld [smem:$0x3FAC]  }
0x2f: {  	lr =	sadd.s32 s0, s3;
	s0 =	sld [smem:$0x3FA3]  }
0x30: {  	s3 =	sld [smem:$0x3FA6]  }
0x31: {  	[smem:$0x3FAF] =	sst s10  }
0x32: {  	s10 =	sld [smem:$0x3FAD];
	_ =	sdelay $0x3  }
0x33: {  	p0 =	seq.s32 s10, $0x1;
	s10 =	sld [smem:$0x3FAF];
	_ =	sdelay $0x3  }
0x34: {  	[smem:$0x3FAF] =	sst s10  }
0x35: {  	s10 =	sld [smem:$0x3FAE];
	_ =	sdelay $0x3  }
0x36: {  	p1 =	seq.s32 s10, $0x1;
	s10 =	sld [smem:$0x3FAF];
	_ =	sdelay $0x3  }
0x37: {  	[smem:$0x3FAF] =	sst s10  }
0x38: {  	s10 =	sld [smem:$0x3FB0]  }
0x39: {  	_ = 	snop;
	(pc) =	sbr.ind lr, $3  }
0x3a: {  	_ = 	snop  }
0x3b: {  	_ = 	snop  }
0x3c: {  	p2 =	seq.s32 s10, $0x1;
	s10 =	sld [smem:$0x3FAF]  }
0x3d: {  	_ =	shalt  }
0x3e: {  	_ =	shalt  }
0x3f: {  	_ =	shalt  }
0x40: {  	_ =	shalt  }
0x41: {  	_ =	shalt  }
0x42: {  	_ =	shalt  }
0x43: {  	_ =	shalt  }
0x44: {  	_ =	shalt  }
0x45: {  	_ =	shalt  }
0x46: {  	_ =	shalt  }
0x47: {  	_ =	shalt  }
0x48: {  	_ =	shalt  }
0x49: {  	_ =	shalt  }
0x4a: {  	_ =	shalt  }
0x4b: {  	_ =	shalt  }
0x4c: {  	_ =	shalt  }
0x4d: {  	_ =	shalt  }
0x4e: {  	_ =	shalt  }
0x4f: {  	_ =	shalt  }
0x50: {  	_ =	shalt  }
0x51: {  	_ =	shalt  }
0x52: {  	_ =	shalt  }
0x53: {  	_ =	shalt  }
0x54: {  	_ =	shalt  }
0x55: {  	_ =	shalt  }
0x56: {  	_ =	shalt  }
0x57: {  	_ =	shalt  }
0x58: {  	_ =	shalt  }
0x59: {  	_ =	shalt  }
0x5a: {  	_ =	shalt  }
0x5b: {  	_ =	shalt  }
0x5c: {  	_ =	shalt  }
0x5d: {  	_ =	shalt  }
0x5e: {  	_ =	shalt  }
0x5f: {  	_ =	shalt  }
0x60: {  	_ =	shalt  }
0x61: {  	_ =	shalt  }
0x62: {  	_ =	shalt  }
0x63: {  	_ =	shalt  }
0x64: {  	_ =	shalt  }
0x65: {  	_ =	shalt  }
0x66: {  	_ =	shalt  }
0x67: {  	_ =	shalt  }
0x68: {  	_ =	shalt  }
0x69: {  	_ =	shalt  }
0x6a: {  	_ =	shalt  }
0x6b: {  	_ =	shalt  }
0x6c: {  	_ =	shalt  }
0x6d: {  	_ =	shalt  }
0x6e: {  	_ =	shalt  }
0x6f: {  	_ =	shalt  }
0x70: {  	_ =	shalt  }
0x71: {  	_ =	shalt  }
0x72: {  	_ =	shalt  }
0x73: {  	_ =	shalt  }
0x74: {  	_ =	shalt  }
0x75: {  	_ =	shalt  }
0x76: {  	_ =	shalt  }
0x77: {  	_ =	shalt  }
0x78: {  	_ =	shalt  }
0x79: {  	_ =	shalt  }
0x7a: {  	_ =	shalt  }
0x7b: {  	_ =	shalt  }
0x7c: {  	_ =	shalt  }
0x7d: {  	_ =	shalt  }
0x7e: {  	_ =	shalt  }
0x7f: {  	_ =	shalt  }
0x80: {  	_ =	shalt  }
0x81: {  	_ =	shalt  }
0x82: {  	_ =	shalt  }
0x83: {  	_ =	shalt  }
0x84: {  	_ =	shalt  }
0x85: {  	_ =	shalt  }
0x86: {  	_ =	shalt  }
0x87: {  	_ =	shalt  }
.Lfunc_end0:
.L_simem_size_0:
called_computation_lowered:
.L_overlay_start_0:
0x88: {  	s0 =	sld [smem:$0x3FD9]  }
0x89: {  	s1 =	sld [smem:$0x3FFE];
	_ =	sdelay $0x3  }
0x8a: {  	s0 =	sadd.s32 s1, s0  }
0x8b: {  	[smem:$0x3FBB] =	sst s0  }
0x8c: {  	_ = 	snop  }
0x8d: {  	(tm) =	ssettm $0x1  }
0x8e: {  	s15 =	sld [smem:$0x3FFB];
	_ =	sdelay $0x3  }
0x8f: {  	_ =	strace s15  }
0x90: {  	s0 =	sld [smem:$0x3FFC];
	_ =	sdelay $0x3  }
0x91: {  	_ =	strace s0  }
0x92: {  	s0 =	sld [smem:$0x3FFD];
	_ =	sdelay $0x3  }
0x93: {  	_ =	strace s0  }
0x94: {  	_ =	strace $0x8FFFFFFF  }
0x95: {  	s16 =	sld [smem:$0x3FDB];
	_ =	sdelay $0x1  }
0x96: {  	s17 =	simm.s32 $_scs_section_size  }
0x97: {  	s2 =	simm.s32 $_size__tile_overlayer_lowered;
	s3 =	simm.s32 $_tile_overlayer_lowered  }
0x98: {  	s20 =	simm.s32 $0x1BFF;
	s19 =	sshll.u32 s3, $0x1;
	s0 =	sadd.s32 s17, s16  }
0x99: {  	s4 =	simm.s32 $0x0;
	s18 =	sshll.u32 s2, $0x1;
	s2 =	sadd.s32 s19, s0  }
0x9a: {  	[timem:s4], [sflag:s20] =	dma.local [hbm:s2], s18  }
0x9b: {  	_ =	swait.ge [sflag:s20], s18  }
0x9c: {  	s1 =	ssub.s32 $0x0, s18;
	[sflag:s20] =	ssyncset.done $0x0  }
0x9d: {  	[sflag:s20] =	ssyncadd.s32 s1;
	_ =	sdelay $0x1  }
0x9e: {  	s21 =	simm.s32 $0x1B8B  }
0x9f: {  	_ =	swait.ge [sflag:s21], $0x1  }
0xa0: {  	[sflag:s21] =	ssyncset.done $0x0  }
0xa1: {  	s23 =	simm.s32 $0x1B8E;
	s22 =	sld [smem:$0x3FFE];
	[sflag:s21] =	ssyncadd.s32 $0xFFFFFFFF  }
0xa2: {  	s24 =	simm.s32 $execute0_lowered;
	[smem:$0x3FD2] =	sst s23  }
0xa3: {  	s2 =	sshll.u32 s24, $0x1;
	_ =	strace $0x80000046;
	[dreg:$0x1] =	wrdreg $0xFFFFFFFF  }
0xa4: {  	s25 =	simm.s32 $_size_execute0_lowered;
	s0 =	sadd.s32 s0, s2;
	[dreg:$0x0] =	wrdreg $0x0  }
0xa5: {  	s2 =	sshll.u32 s25, $0x1;
	[dreg:$0x2] =	wrdreg s0  }
0xa6: {  	[dreg:$0x3] =	wrdreg s2  }
0xa7: {  	[dreg:$0x4] =	wrdreg $0xC0  }
0xa8: {  	_ =	task [dreg:s4], $0x5FFFF  }
0xa9: {  	[dreg:$0x1] =	wrdreg $0xFFFFFFFF  }
0xaa: {  	[dreg:$0x0] =	wrdreg $0x60  }
0xab: {  	[dreg:$0x2] =	wrdreg s22  }
0xac: {  	[dreg:$0x3] =	wrdreg $0x9  }
0xad: {  	_ =	task.clear_ibuf [dreg:s4], $0x4FFFF;
	_ =	strace $0x90000046  }
0xae: {  	s26 =	simm.s32 $0x9;
	_ =	strace $0x80000048  }
0xaf: {  	_ =	swait.ge [sflag:s26], $0x1  }
0xb0: {  	[sflag:s26] =	ssyncadd.s32 $0xFFFFFFFF  }
0xb1: {  	_ =	strace $0x90000048  }
0xb2: {  	_ =	sfence  }
0xb3: {  	s28 =	sld [smem:$0x0];
	_ =	sdelay $0x1  }
0xb4: {  	s29 =	srdreg.scid  }
0xb5: {  	s30 =	sshll.u32 s29, $0xD;
	s31 =	sshrl.u32 s29, $0x2  }
0xb6: {  	s1 =	sand.u32 $0x1, s29;
	s2 =	sand.u32 $0x4000, s30;
	s0 =	sadd.s32 s31, s28  }
0xb7: {  	s1 =	sor.u32 s2, s1;
	s0 =	sshll.u32 s0, $0x11  }
0xb8: {  	s0 =	sor.u32 s0, s1  }
0xb9: {  	s0 =	sadd.s32 $0x8F2B, s0  }
0xba: {  	[sflag:s0] =	ssyncadd.remote.s32 $0x1  }
0xbb: {  	_ =	sfence.sel $0xFFFF  }
0xbc: {  	[dreg:$0x0] =	wrdreg $0xFFFFFFFF;
	(pc) =	sbr.abs _section_cstart, $3  }
0xbd: {  	[dreg:$0x1] =	wrdreg $0xFFFFFFFF  }
0xbe: {  	_ =	task.clear_ibuf [dreg:s4], $0x2FFFF;
	_ =	strace $0x9FFFFFFF  }
0xbf: {  	(tm) =	ssettm $0x7FFFFFFF  }
tec
execute0_lowered:
.L_overlay_start_1:
0x0: {  	(tag) =	ssettag $0x1  }
0x1: {  	s4 =	rddreg [dreg:$0x0]  }
0x2: {  	s0 =	rddreg [dreg:$0x1];
	_ =	strace $0x80000047;
	s5 =	stileid.u32  }
0x3: {  	s3 =	simm.s32 $0x3E;
	s1 =	sadd.s32 $0x30400, s4;
	p0 =	sne.s32 s5, $0x0  }
0x4: {  	[sflag:s3] =	ssyncpa.u1 $0x0;
	s6 =	simm.s32 @!p0 $0x1C3E;
	s2 =	simm.s32 @!p0 $0x0  }
0x5: {  	[spmem:s2], [sflag:s6] =	dma.local @!p0 [hbm:s1], $0x10  }
0x6: {  	s6 =	simm.s32 @!p0 $0x3E  }
0x7: {  	_ =	swait.ge @!p0 [sflag:s6], $0x10  }
0x8: {  	[sflag:s6] =	ssyncset.done @!p0 $0x0  }
0x9: {  	s13 =	simm.s32 $0x1;
	[sflag:s6] =	ssyncadd.s32 @!p0 $0xFFFFFFF0  }
0xa: {  	s7 =	simm.s32 $0x2;
	s8 =	simm.s32 $0x0;
	[bflag:$0x0] =	sbarrier.arrive $0xFFFF  }
0xb: {  	s9 =	simm.s32 $0x88;
	s14 =	sadd.s32 $0x30200, s4;
	[sflag:s3] =	ssyncpa.u1 $0x1  }
0xc: {  	s4 =	sadd.s32 $0x30600, s4;
	s5 =	sshll.u32 s5, $0x4;
	[sflag:s13] =	ssyncpa.u1 $0x0  }
0xd: {  	s6 =	sadd.s32 s14, s5;
	(ifvalue) =	ssetifvalue $0x80;
	[sflag:s7] =	ssyncpa.u1 $0x0  }
0xe: {  	[tilespmem:s9], [sflag:$0x2] =	stream.linear.gather [hbm4b:s6+s8], $0x80, $0x38;
	[tilespmem:$0x208] =	vst v63  }
0xf: {  	s15 =	simm.s32 $0x188;
	s4 =	sadd.s32 s4, s5  }
0x10: {  	[tilespmem:s15], [sflag:$0x2] =	stream.linear.gather [hbm4b:s4+s8], $0x80, $0x38;
	[tilespmem:$0x208] =	vst v63  }
0x11: {  	_ =	swait.ge [sflag:s7], $0x100  }
0x12: {  	[sflag:s7] =	ssyncset.done $0x0  }
0x13: {  	[sflag:s7] =	ssyncadd.s32 $0xFFFFFF00  }
0x14: {  	v0 =	vld.msk [tilespmem:s9+$0x0 ss:$0x1], $0xffff;
	_ =	sdelay $0x4  }
0x15: {  	v0 =	vmin.u32 v0, $0x80;
	_ =	sdelay $0x3  }
0x16: {  	vm0 =	vmmov $0xffff;
	s16 =	simm.s32 $0x98  }
0x17: {  	[spmem:s8] =	stream.indirect_vreg.scatter.add.s32 [tilespmem:s15], [sflag:$0x1], $0x1, v0, vm0, $0x4038;
	[tilespmem:$0x208] =	vst v63  }
0x18: {  	v0 =	vld.msk [tilespmem:s16+$0x0 ss:$0x1], $0xffff;
	_ =	sdelay $0x4  }
0x19: {  	v0 =	vmin.u32 v0, $0x80;
	_ =	sdelay $0x3  }
0x1a: {  	s17 =	simm.s32 $0x198;
	s18 =	simm.s32 $0xA8  }
0x1b: {  	[spmem:s8] =	stream.indirect_vreg.scatter.add.s32 [tilespmem:s17], [sflag:$0x1], $0x1, v0, vm0, $0x4038;
	[tilespmem:$0x208] =	vst v63  }
0x1c: {  	v0 =	vld.msk [tilespmem:s18+$0x0 ss:$0x1], $0xffff;
	_ =	sdelay $0x4  }
0x1d: {  	v0 =	vmin.u32 v0, $0x80;
	_ =	sdelay $0x3  }
0x1e: {  	s19 =	simm.s32 $0x1A8;
	s20 =	simm.s32 $0xB8  }
0x1f: {  	[spmem:s8] =	stream.indirect_vreg.scatter.add.s32 [tilespmem:s19], [sflag:$0x1], $0x1, v0, vm0, $0x4038;
	[tilespmem:$0x208] =	vst v63  }
0x20: {  	v0 =	vld.msk [tilespmem:s20+$0x0 ss:$0x1], $0xffff;
	_ =	sdelay $0x4  }
0x21: {  	v0 =	vmin.u32 v0, $0x80;
	_ =	sdelay $0x3  }
0x22: {  	s21 =	simm.s32 $0x1B8;
	s22 =	simm.s32 $0xC8  }
0x23: {  	[spmem:s8] =	stream.indirect_vreg.scatter.add.s32 [tilespmem:s21], [sflag:$0x1], $0x1, v0, vm0, $0x4038;
	[tilespmem:$0x208] =	vst v63  }
0x24: {  	v0 =	vld.msk [tilespmem:s22+$0x0 ss:$0x1], $0xffff;
	_ =	sdelay $0x4  }
0x25: {  	v0 =	vmin.u32 v0, $0x80;
	_ =	sdelay $0x3  }
0x26: {  	s23 =	simm.s32 $0x1C8;
	s24 =	simm.s32 $0xD8  }
0x27: {  	[spmem:s8] =	stream.indirect_vreg.scatter.add.s32 [tilespmem:s23], [sflag:$0x1], $0x1, v0, vm0, $0x4038;
	[tilespmem:$0x208] =	vst v63  }
0x28: {  	v0 =	vld.msk [tilespmem:s24+$0x0 ss:$0x1], $0xffff;
	_ =	sdelay $0x4  }
0x29: {  	v0 =	vmin.u32 v0, $0x80;
	_ =	sdelay $0x3  }
0x2a: {  	s25 =	simm.s32 $0x1D8;
	s26 =	simm.s32 $0xE8  }
0x2b: {  	[spmem:s8] =	stream.indirect_vreg.scatter.add.s32 [tilespmem:s25], [sflag:$0x1], $0x1, v0, vm0, $0x4038;
	[tilespmem:$0x208] =	vst v63  }
0x2c: {  	v0 =	vld.msk [tilespmem:s26+$0x0 ss:$0x1], $0xffff;
	_ =	sdelay $0x4  }
0x2d: {  	v0 =	vmin.u32 v0, $0x80;
	_ =	sdelay $0x3  }
0x2e: {  	s28 =	simm.s32 $0x1E8;
	s29 =	simm.s32 $0xF8  }
0x2f: {  	[spmem:s8] =	stream.indirect_vreg.scatter.add.s32 [tilespmem:s28], [sflag:$0x1], $0x1, v0, vm0, $0x4038;
	[tilespmem:$0x208] =	vst v63  }
0x30: {  	v0 =	vld.msk [tilespmem:s29+$0x0 ss:$0x1], $0xffff;
	_ =	sdelay $0x4  }
0x31: {  	v0 =	vmin.u32 v0, $0x80;
	_ =	sdelay $0x3  }
0x32: {  	s30 =	simm.s32 $0x1F8  }
0x33: {  	[spmem:s8] =	stream.indirect_vreg.scatter.add.s32 [tilespmem:s30], [sflag:$0x1], $0x1, v0, vm0, $0x4038;
	[tilespmem:$0x208] =	vst v63  }
0x34: {  	_ =	swait.ge [sflag:s13], $0x80  }
0x35: {  	[sflag:s13] =	ssyncset.done $0x0  }
0x36: {  	[sflag:s13] =	ssyncadd.s32 $0xFFFFFF80  }
0x37: {  	_ =	sfence.sel $0x180000  }
0x38: {  	[bflag:$0x0] =	sbarrier.arrive $0xFFFF  }
0x39: {  	[sflag:s7] =	ssyncpa.u1 $0x1  }
0x3a: {  	[sflag:s13] =	ssyncpa.u1 $0x1  }
0x3b: {  	_ =	sfence.stream.spmem  }
0x3c: {  	s31 =	simm.s32 $0x3D;
	[bflag:$0x0] =	sbarrier.arrive $0xFFFF  }
0x3d: {  	s3 =	simm.s32 @p0 $0x3D;
	[sflag:s31] =	ssyncpa.u1 $0x0  }
0x3e: {  	[sflag:s3] =	ssyncpa.u1 @p0 $0x1  }
0x3f: {  	[bflag:$0x0] =	sbarrier.arrive @p0 $0xFFFF  }
0x40: {  	_ =	strace @p0 $0x90000047  }
0x41: {  	s3 =	simm.s32 @!p0 $0x1C3D;
	[bflag:$0x2] =	sbarrier.arrive @p0 $0xFFFF  }
0x42: {  	[hbm:s1], [sflag:s3] =	dma.local @!p0 [spmem:s2], $0x10  }
0x43: {  	s1 =	simm.s32 @!p0 $0x3D  }
0x44: {  	_ =	swait.ge @!p0 [sflag:s1], $0x10  }
0x45: {  	[sflag:s1] =	ssyncset.done @!p0 $0x0  }
0x46: {  	[sflag:s1] =	ssyncadd.s32 @!p0 $0xFFFFFFF0  }
0x47: {  	[sflag:s1] =	ssyncpa.u1 @!p0 $0x1  }
0x48: {  	[bflag:$0x0] =	sbarrier.arrive @!p0 $0xFFFF  }
0x49: {  	_ =	strace @!p0 $0x90000047  }
0x4a: {  	s0 =	sadd.s32 @!p0 $0x100000, s0;
	[bflag:$0x2] =	sbarrier.arrive @!p0 $0xFFFF  }
0x4b: {  	[sflag:s0] =	ssyncadd.tile.s32 @!p0 $0x1;
	_ =	shalt  }
.Lfunc_end2:
_tile_overlayer_lowered:
.L_overlay_start_2:
0x4c: {  	(tag) =	ssettag $0x2  }
0x4d: {  	s0 =	rddreg [dreg:$0x0];
	s2 =	stileid.u32  }
0x4e: {  	s1 =	rddreg [dreg:$0x1];
	p0 =	sne.s32 s2, $0x0  }
0x4f: {  	s3 =	rddreg [dreg:$0x2];
	[bflag:$0x3] =	sbarrier.arrive $0xFFFF;
	s2 =	simm.s32 @!p0 $0x1C01  }
0x50: {  	[timem:s3], [sflag:s2] =	dma.local @!p0 [hbm:s0], s1  }
0x51: {  	s0 =	simm.s32 @!p0 $0x1  }
0x52: {  	_ =	swait.ge @!p0 [sflag:s0], s1  }
0x53: {  	s1 =	ssub.s32 @!p0 $0x0, s1;
	[sflag:s0] =	ssyncset.done @!p0 $0x0  }
0x54: {  	[sflag:s0] =	ssyncadd.s32 @!p0 s1  }
0x55: {  	[bflag:$0x3] =	sbarrier.arrive $0xFFFF  }
0x56: {  	_ =	shalt  }

</sc_bundles>
